<compile_context>
chip_gen: v7x
topology: tpu7x:2x2x1
jax: 0.10.2.dev20260603
libtpu: 0.0.44.dev20260713+nightly
codegen_flags: <defaults>
</compile_context>

<pallas_src>
import functools

import jax
import jax.numpy as jnp
from jax import lax
from jax.experimental import pallas as pl
from jax.experimental.pallas import tpu as pltpu
from jax.experimental.pallas import tpu_sc as plsc

N_ROWS = 32768
D = 128
NSEG = 16
PAD_COLS = 34
LANES = 16
NGROUP = D // LANES

NC = 2
NS = 16
NW = NC * NS
ROWS_PER_W = N_ROWS // NW
CHUNK = 256
NCHUNK = ROWS_PER_W // CHUNK


def _sc_partial_sums(x, ptr):
  mesh = plsc.VectorSubcoreMesh(core_axis_name="c", subcore_axis_name="s")

  @functools.partial(
      pl.kernel,
      mesh=mesh,
      out_type=jax.ShapeDtypeStruct((NW, NSEG, D), jnp.float32),
      scratch_types=[
          pltpu.VMEM((CHUNK, D), jnp.float32),
          pltpu.VMEM((CHUNK, D), jnp.float32),
          pltpu.VMEM((LANES,), jnp.int32),
          pltpu.VMEM((NSEG, D), jnp.float32),
          pltpu.SMEM((NSEG + 1,), jnp.int32),
          pltpu.SemaphoreType.DMA,
          pltpu.SemaphoreType.DMA,
      ],
  )
  def k(x_hbm, ptr_hbm, out_hbm, buf0, buf1, ptr_v, acc, psm, sem0, sem1):
    wid = lax.axis_index("s") * NC + lax.axis_index("c")
    lo = wid * ROWS_PER_W

    pltpu.sync_copy(ptr_hbm.at[pl.ds(0, LANES)], ptr_v)
    ptrv = ptr_v[...]
    for s in range(NSEG):
      psm[s] = ptrv[s]
    psm[NSEG] = jnp.int32(N_ROWS)

    zeros = jnp.zeros((LANES,), jnp.float32)

    def zero_body(s, _):
      for g in range(NGROUP):
        acc[s, pl.ds(g * LANES, LANES)] = zeros
      return 0

    lax.fori_loop(0, NSEG, zero_body, 0)

    def chunk_copy(c, buf, sem):
      return pltpu.make_async_copy(
          x_hbm.at[pl.ds(lo + c * CHUNK, CHUNK), :], buf, sem)

    def process(buf, c):
      clo = lo + c * CHUNK

      def seg_body(s, _):
        a = jnp.maximum(psm[s], clo)
        b = jnp.minimum(psm[s + 1], clo + CHUNK)

        @pl.when(a < b)
        def _():
          def row_body(i, carry):
            j = i - clo
            return tuple(
                carry[g] + buf[j, pl.ds(g * LANES, LANES)]
                for g in range(NGROUP))

          part = lax.fori_loop(a, b, row_body,
                               tuple(zeros for _ in range(NGROUP)))
          for g in range(NGROUP):
            sl = pl.ds(g * LANES, LANES)
            acc[s, sl] = acc[s, sl] + part[g]

        return 0

      lax.fori_loop(0, NSEG, seg_body, 0)

    chunk_copy(0, buf0, sem0).start()
    chunk_copy(1, buf1, sem1).start()

    def pair_body(i, _):
      c = 2 * i
      chunk_copy(c, buf0, sem0).wait()
      process(buf0, c)

      @pl.when(c + 2 < NCHUNK)
      def _():
        chunk_copy(c + 2, buf0, sem0).start()

      chunk_copy(c + 1, buf1, sem1).wait()
      process(buf1, c + 1)

      @pl.when(c + 3 < NCHUNK)
      def _():
        chunk_copy(c + 3, buf1, sem1).start()

      return 0

    lax.fori_loop(0, NCHUNK // 2, pair_body, 0)

    pltpu.sync_copy(acc, out_hbm.at[wid])

  return k(x, ptr)


def _combine_kernel(p_ref, cnt_ref, out_ref):
  sums = jnp.sum(p_ref[...], axis=0)
  mean = sums / cnt_ref[...]
  out_ref[...] = jnp.concatenate(
      [mean, jnp.zeros((NSEG, PAD_COLS), jnp.float32)], axis=1)


def kernel(x, ptr):
  partials = _sc_partial_sums(x, ptr)
  cnt = jnp.maximum(ptr[1:] - ptr[:-1], 1).astype(jnp.float32).reshape(NSEG, 1)
  out = pl.pallas_call(
      _combine_kernel,
      out_shape=jax.ShapeDtypeStruct((NSEG, D + PAD_COLS), jnp.float32),
  )(partials, cnt)
  return out

# --- scband reference (transcript-rebuilt; emitter-appended) ---
"""Pipeline reference for scband-column-dataset-encoder-31525059953249 (READ-ONLY COPY).

The authoritative reference and input builder live on the scoring server;
editing this copy changes nothing except your own understanding.
"""

import jax, jax.numpy as jnp
import numpy as np

N, D, B = 32768, 128, 16
PAD = 34

def setup_inputs(seed: int = 0) -> dict:
    key = jax.random.key(seed)
    k1, k2 = jax.random.split(key)
    x = jax.random.normal(k1, (N, D), dtype=jnp.float32)
    inner = jnp.sort(jax.random.randint(k2, (B - 1,), 0, N, dtype=jnp.int32))
    ptr = jnp.concatenate([jnp.array([0], dtype=jnp.int32), inner, jnp.array([N], dtype=jnp.int32)])
    return {"x": x, "ptr": ptr}

def reference(x, ptr):
    # ColumnDatasetEncoder.forward with aggr_type=['mean'], aggr_mode='cat':
    # multi_aggr reduces x per-segment (CSR ptr) with mean, then pads last dim by self.pad=34 zeros.
    n = x.shape[0]
    num_seg = ptr.shape[0] - 1
    # segment id of token i: number of interior boundaries <= i
    seg = jnp.searchsorted(ptr[1:], jnp.arange(n, dtype=ptr.dtype), side='right')
    sums = jax.ops.segment_sum(x, seg, num_segments=num_seg)
    counts = jax.ops.segment_sum(jnp.ones((n,), dtype=x.dtype), seg, num_segments=num_seg)
    mean = sums / jnp.maximum(counts, 1.0)[:, None]  # empty segments -> 0
    out = jnp.pad(mean, ((0, 0), (0, PAD)))
    return out

if __name__ == "__main__":
    import jax
    _d = setup_inputs()
    print(jax.jit(kernel)(*tuple(_d.values())))

</pallas_src>

<mosaic_0001>
#map = affine_map<(d0, d1) -> (0, 0)>
#map1 = affine_map<(d0, d1) -> (0)>
#map2 = affine_map<(d0, d1) -> (0, 0, 0)>
module attributes {stable_mosaic.version = 14 : i64} {
  func.func @k(%arg0: i32, %arg1: i32, %arg2: memref<32768x128xf32, #tpu.memory_space<hbm>>, %arg3: memref<17xi32, #tpu.memory_space<hbm>>, %arg4: memref<32x16x128xf32, #tpu.memory_space<hbm>>, %arg5: memref<256x128xf32, #tpu.memory_space<vmem>>, %arg6: memref<256x128xf32, #tpu.memory_space<vmem>>, %arg7: memref<16xi32, #tpu.memory_space<vmem>>, %arg8: memref<16x128xf32, #tpu.memory_space<vmem>>, %arg9: memref<17xi32, #tpu.memory_space<smem>>, %arg10: memref<!tpu.dma_semaphore, #tpu.memory_space<semaphore_mem>>, %arg11: memref<!tpu.dma_semaphore, #tpu.memory_space<semaphore_mem>>) attributes {dimension_semantics = [#tpu.dimension_semantics<core_parallel>, #tpu.dimension_semantics<subcore_parallel>], iteration_bounds = array<i64: 2, 16>, scalar_prefetch = 0 : i64, scratch_operands = 7 : i64, tpu.core_type = #tpu.core_type<sc_vector_subcore>, window_params = [{transform_indices = #map}, {transform_indices = #map1}, {transform_indices = #map2}]} {
    %mul3A = arith.constant 2 : i32
    %mul3A_0 = arith.muli %arg1, %mul3A : i32
    %add3A = arith.addi %mul3A_0, %arg0 : i32
    %mul3A_1 = arith.constant 1024 : i32
    %mul3A_2 = arith.muli %add3A, %mul3A_1 : i32
    "tpu.region"() ({
      %run_scoped3A = tpu.sem_alloc : memref<!tpu.dma_semaphore, #tpu.memory_space<semaphore_mem>>
      %dma_start3A_111 = arith.constant 0 : i32
      %dma_start3A_112 = tpu.memref_slice %arg3[%dma_start3A_111] : memref<17xi32, #tpu.memory_space<hbm>> -> memref<16xi32, #tpu.memory_space<hbm>>
      %dma_start3A_113 = arith.constant 0 : i32
      %dma_start3A_114 = tpu.memref_slice %arg3[%dma_start3A_113] : memref<17xi32, #tpu.memory_space<hbm>> -> memref<16xi32, #tpu.memory_space<hbm>>
      tpu.enqueue_dma source(%dma_start3A_114 : memref<16xi32, #tpu.memory_space<hbm>>) target(%arg7 : memref<16xi32, #tpu.memory_space<vmem>>) target_semaphore(%run_scoped3A : memref<!tpu.dma_semaphore, #tpu.memory_space<semaphore_mem>>)
      %dma_wait3A = arith.constant 0 : i32
      %dma_wait3A_115 = tpu.memref_slice %arg3[%dma_wait3A] : memref<17xi32, #tpu.memory_space<hbm>> -> memref<16xi32, #tpu.memory_space<hbm>>
      %dma_wait3A_116 = arith.constant 0 : i32
      %dma_wait3A_117 = tpu.memref_slice %arg3[%dma_wait3A_116] : memref<17xi32, #tpu.memory_space<hbm>> -> memref<16xi32, #tpu.memory_space<hbm>>
      tpu.wait_dma2 semaphore(%run_scoped3A : memref<!tpu.dma_semaphore, #tpu.memory_space<semaphore_mem>>) src(%dma_wait3A_117 : memref<16xi32, #tpu.memory_space<hbm>>) dst(%arg7 : memref<16xi32, #tpu.memory_space<vmem>>)
      tpu.yield
    }) : () -> ()
    %get3A = arith.constant 0 : index
    %get3A_3 = tpu.vector_load %arg7[%get3A] {strides = array<i32>} : memref<16xi32, #tpu.memory_space<vmem>>, vector<16xi32>,
    %get3A_4 = vector.shape_cast %get3A_3 : vector<16xi32> to vector<16xi32>
    %slice3A = vector.extract_strided_slice %get3A_4 {offsets = [0], sizes = [1], strides = [1]} : vector<16xi32> to vector<1xi32>
    %squeeze3A = vector.extract %slice3A[0] : i32 from vector<1xi32>
    %swap3A = arith.constant 0 : i32
    %swap3A_5 = arith.index_cast %swap3A : i32 to index
    %swap3A_6 = memref.load %arg9[%swap3A_5] : memref<17xi32, #tpu.memory_space<smem>>
    memref.store %squeeze3A, %arg9[%swap3A_5] : memref<17xi32, #tpu.memory_space<smem>>
    %slice3A_7 = vector.extract_strided_slice %get3A_4 {offsets = [1], sizes = [1], strides = [1]} : vector<16xi32> to vector<1xi32>
    %squeeze3A_8 = vector.extract %slice3A_7[0] : i32 from vector<1xi32>
    %swap3A_9 = arith.constant 1 : i32
    %swap3A_10 = arith.index_cast %swap3A_9 : i32 to index
    %swap3A_11 = memref.load %arg9[%swap3A_10] : memref<17xi32, #tpu.memory_space<smem>>
    memref.store %squeeze3A_8, %arg9[%swap3A_10] : memref<17xi32, #tpu.memory_space<smem>>
    %slice3A_12 = vector.extract_strided_slice %get3A_4 {offsets = [2], sizes = [1], strides = [1]} : vector<16xi32> to vector<1xi32>
    %squeeze3A_13 = vector.extract %slice3A_12[0] : i32 from vector<1xi32>
    %swap3A_14 = arith.constant 2 : i32
    %swap3A_15 = arith.index_cast %swap3A_14 : i32 to index
    %swap3A_16 = memref.load %arg9[%swap3A_15] : memref<17xi32, #tpu.memory_space<smem>>
    memref.store %squeeze3A_13, %arg9[%swap3A_15] : memref<17xi32, #tpu.memory_space<smem>>
    %slice3A_17 = vector.extract_strided_slice %get3A_4 {offsets = [3], sizes = [1], strides = [1]} : vector<16xi32> to vector<1xi32>
    %squeeze3A_18 = vector.extract %slice3A_17[0] : i32 from vector<1xi32>
    %swap3A_19 = arith.constant 3 : i32
    %swap3A_20 = arith.index_cast %swap3A_19 : i32 to index
    %swap3A_21 = memref.load %arg9[%swap3A_20] : memref<17xi32, #tpu.memory_space<smem>>
    memref.store %squeeze3A_18, %arg9[%swap3A_20] : memref<17xi32, #tpu.memory_space<smem>>
    %slice3A_22 = vector.extract_strided_slice %get3A_4 {offsets = [4], sizes = [1], strides = [1]} : vector<16xi32> to vector<1xi32>
    %squeeze3A_23 = vector.extract %slice3A_22[0] : i32 from vector<1xi32>
    %swap3A_24 = arith.constant 4 : i32
    %swap3A_25 = arith.index_cast %swap3A_24 : i32 to index
    %swap3A_26 = memref.load %arg9[%swap3A_25] : memref<17xi32, #tpu.memory_space<smem>>
    memref.store %squeeze3A_23, %arg9[%swap3A_25] : memref<17xi32, #tpu.memory_space<smem>>
    %slice3A_27 = vector.extract_strided_slice %get3A_4 {offsets = [5], sizes = [1], strides = [1]} : vector<16xi32> to vector<1xi32>
    %squeeze3A_28 = vector.extract %slice3A_27[0] : i32 from vector<1xi32>
    %swap3A_29 = arith.constant 5 : i32
    %swap3A_30 = arith.index_cast %swap3A_29 : i32 to index
    %swap3A_31 = memref.load %arg9[%swap3A_30] : memref<17xi32, #tpu.memory_space<smem>>
    memref.store %squeeze3A_28, %arg9[%swap3A_30] : memref<17xi32, #tpu.memory_space<smem>>
    %slice3A_32 = vector.extract_strided_slice %get3A_4 {offsets = [6], sizes = [1], strides = [1]} : vector<16xi32> to vector<1xi32>
    %squeeze3A_33 = vector.extract %slice3A_32[0] : i32 from vector<1xi32>
    %swap3A_34 = arith.constant 6 : i32
    %swap3A_35 = arith.index_cast %swap3A_34 : i32 to index
    %swap3A_36 = memref.load %arg9[%swap3A_35] : memref<17xi32, #tpu.memory_space<smem>>
    memref.store %squeeze3A_33, %arg9[%swap3A_35] : memref<17xi32, #tpu.memory_space<smem>>
    %slice3A_37 = vector.extract_strided_slice %get3A_4 {offsets = [7], sizes = [1], strides = [1]} : vector<16xi32> to vector<1xi32>
    %squeeze3A_38 = vector.extract %slice3A_37[0] : i32 from vector<1xi32>
    %swap3A_39 = arith.constant 7 : i32
    %swap3A_40 = arith.index_cast %swap3A_39 : i32 to index
    %swap3A_41 = memref.load %arg9[%swap3A_40] : memref<17xi32, #tpu.memory_space<smem>>
    memref.store %squeeze3A_38, %arg9[%swap3A_40] : memref<17xi32, #tpu.memory_space<smem>>
    %slice3A_42 = vector.extract_strided_slice %get3A_4 {offsets = [8], sizes = [1], strides = [1]} : vector<16xi32> to vector<1xi32>
    %squeeze3A_43 = vector.extract %slice3A_42[0] : i32 from vector<1xi32>
    %swap3A_44 = arith.constant 8 : i32
    %swap3A_45 = arith.index_cast %swap3A_44 : i32 to index
    %swap3A_46 = memref.load %arg9[%swap3A_45] : memref<17xi32, #tpu.memory_space<smem>>
    memref.store %squeeze3A_43, %arg9[%swap3A_45] : memref<17xi32, #tpu.memory_space<smem>>
    %slice3A_47 = vector.extract_strided_slice %get3A_4 {offsets = [9], sizes = [1], strides = [1]} : vector<16xi32> to vector<1xi32>
    %squeeze3A_48 = vector.extract %slice3A_47[0] : i32 from vector<1xi32>
    %swap3A_49 = arith.constant 9 : i32
    %swap3A_50 = arith.index_cast %swap3A_49 : i32 to index
    %swap3A_51 = memref.load %arg9[%swap3A_50] : memref<17xi32, #tpu.memory_space<smem>>
    memref.store %squeeze3A_48, %arg9[%swap3A_50] : memref<17xi32, #tpu.memory_space<smem>>
    %slice3A_52 = vector.extract_strided_slice %get3A_4 {offsets = [10], sizes = [1], strides = [1]} : vector<16xi32> to vector<1xi32>
    %squeeze3A_53 = vector.extract %slice3A_52[0] : i32 from vector<1xi32>
    %swap3A_54 = arith.constant 10 : i32
    %swap3A_55 = arith.index_cast %swap3A_54 : i32 to index
    %swap3A_56 = memref.load %arg9[%swap3A_55] : memref<17xi32, #tpu.memory_space<smem>>
    memref.store %squeeze3A_53, %arg9[%swap3A_55] : memref<17xi32, #tpu.memory_space<smem>>
    %slice3A_57 = vector.extract_strided_slice %get3A_4 {offsets = [11], sizes = [1], strides = [1]} : vector<16xi32> to vector<1xi32>
    %squeeze3A_58 = vector.extract %slice3A_57[0] : i32 from vector<1xi32>
    %swap3A_59 = arith.constant 11 : i32
    %swap3A_60 = arith.index_cast %swap3A_59 : i32 to index
    %swap3A_61 = memref.load %arg9[%swap3A_60] : memref<17xi32, #tpu.memory_space<smem>>
    memref.store %squeeze3A_58, %arg9[%swap3A_60] : memref<17xi32, #tpu.memory_space<smem>>
    %slice3A_62 = vector.extract_strided_slice %get3A_4 {offsets = [12], sizes = [1], strides = [1]} : vector<16xi32> to vector<1xi32>
    %squeeze3A_63 = vector.extract %slice3A_62[0] : i32 from vector<1xi32>
    %swap3A_64 = arith.constant 12 : i32
    %swap3A_65 = arith.index_cast %swap3A_64 : i32 to index
    %swap3A_66 = memref.load %arg9[%swap3A_65] : memref<17xi32, #tpu.memory_space<smem>>
    memref.store %squeeze3A_63, %arg9[%swap3A_65] : memref<17xi32, #tpu.memory_space<smem>>
    %slice3A_67 = vector.extract_strided_slice %get3A_4 {offsets = [13], sizes = [1], strides = [1]} : vector<16xi32> to vector<1xi32>
    %squeeze3A_68 = vector.extract %slice3A_67[0] : i32 from vector<1xi32>
    %swap3A_69 = arith.constant 13 : i32
    %swap3A_70 = arith.index_cast %swap3A_69 : i32 to index
    %swap3A_71 = memref.load %arg9[%swap3A_70] : memref<17xi32, #tpu.memory_space<smem>>
    memref.store %squeeze3A_68, %arg9[%swap3A_70] : memref<17xi32, #tpu.memory_space<smem>>
    %slice3A_72 = vector.extract_strided_slice %get3A_4 {offsets = [14], sizes = [1], strides = [1]} : vector<16xi32> to vector<1xi32>
    %squeeze3A_73 = vector.extract %slice3A_72[0] : i32 from vector<1xi32>
    %swap3A_74 = arith.constant 14 : i32
    %swap3A_75 = arith.index_cast %swap3A_74 : i32 to index
    %swap3A_76 = memref.load %arg9[%swap3A_75] : memref<17xi32, #tpu.memory_space<smem>>
    memref.store %squeeze3A_73, %arg9[%swap3A_75] : memref<17xi32, #tpu.memory_space<smem>>
    %slice3A_77 = vector.extract_strided_slice %get3A_4 {offsets = [15], sizes = [1], strides = [1]} : vector<16xi32> to vector<1xi32>
    %squeeze3A_78 = vector.extract %slice3A_77[0] : i32 from vector<1xi32>
    %swap3A_79 = arith.constant 15 : i32
    %swap3A_80 = arith.index_cast %swap3A_79 : i32 to index
    %swap3A_81 = memref.load %arg9[%swap3A_80] : memref<17xi32, #tpu.memory_space<smem>>
    memref.store %squeeze3A_78, %arg9[%swap3A_80] : memref<17xi32, #tpu.memory_space<smem>>
    %swap3A_82 = arith.constant 32768 : i32
    %swap3A_83 = arith.constant 16 : i32
    %swap3A_84 = arith.index_cast %swap3A_83 : i32 to index
    %swap3A_85 = memref.load %arg9[%swap3A_84] : memref<17xi32, #tpu.memory_space<smem>>
    memref.store %swap3A_82, %arg9[%swap3A_84] : memref<17xi32, #tpu.memory_space<smem>>
    %broadcast_in_dim3A = arith.constant 0.000000e+00 : f32
    %broadcast_in_dim3A_86 = vector.broadcast %broadcast_in_dim3A : f32 to vector<16xf32>
    %scan3A = arith.constant 0 : i32
    %scan3A_87 = arith.constant 0 : i32
    %scan3A_88 = arith.constant 16 : i32
    %scan3A_89 = arith.addi %scan3A_87, %scan3A_88 : i32
    %scan3A_90 = arith.constant 1 : i32
    %scan3A_91 = scf.for %scan3A_111 = %scan3A_87 to %scan3A_89 step %scan3A_90 iter_args(%scan3A_112 = %scan3A) -> (i32)  : i32 {
      %swap3A_113 = arith.index_cast %scan3A_111 : i32 to index
      %swap3A_114 = arith.constant 0 : index
      %swap3A_115 = tpu.vector_load %arg8[%swap3A_113, %swap3A_114] {strides = array<i32>} : memref<16x128xf32, #tpu.memory_space<vmem>>, vector<1x16xf32>,
      %swap3A_116 = vector.shape_cast %swap3A_115 : vector<1x16xf32> to vector<16xf32>
      %swap3A_117 = vector.shape_cast %broadcast_in_dim3A_86 : vector<16xf32> to vector<1x16xf32>
      tpu.vector_store %arg8[%swap3A_113, %swap3A_114], %swap3A_117 {strides = array<i32>} : memref<16x128xf32, #tpu.memory_space<vmem>>, vector<1x16xf32>,
      %swap3A_118 = arith.index_cast %scan3A_111 : i32 to index
      %swap3A_119 = arith.constant 16 : index
      %swap3A_120 = tpu.vector_load %arg8[%swap3A_118, %swap3A_119] {strides = array<i32>} : memref<16x128xf32, #tpu.memory_space<vmem>>, vector<1x16xf32>,
      %swap3A_121 = vector.shape_cast %swap3A_120 : vector<1x16xf32> to vector<16xf32>
      %swap3A_122 = vector.shape_cast %broadcast_in_dim3A_86 : vector<16xf32> to vector<1x16xf32>
      tpu.vector_store %arg8[%swap3A_118, %swap3A_119], %swap3A_122 {strides = array<i32>} : memref<16x128xf32, #tpu.memory_space<vmem>>, vector<1x16xf32>,
      %swap3A_123 = arith.index_cast %scan3A_111 : i32 to index
      %swap3A_124 = arith.constant 32 : index
      %swap3A_125 = tpu.vector_load %arg8[%swap3A_123, %swap3A_124] {strides = array<i32>} : memref<16x128xf32, #tpu.memory_space<vmem>>, vector<1x16xf32>,
      %swap3A_126 = vector.shape_cast %swap3A_125 : vector<1x16xf32> to vector<16xf32>
      %swap3A_127 = vector.shape_cast %broadcast_in_dim3A_86 : vector<16xf32> to vector<1x16xf32>
      tpu.vector_store %arg8[%swap3A_123, %swap3A_124], %swap3A_127 {strides = array<i32>} : memref<16x128xf32, #tpu.memory_space<vmem>>, vector<1x16xf32>,
      %swap3A_128 = arith.index_cast %scan3A_111 : i32 to index
      %swap3A_129 = arith.constant 48 : index
      %swap3A_130 = tpu.vector_load %arg8[%swap3A_128, %swap3A_129] {strides = array<i32>} : memref<16x128xf32, #tpu.memory_space<vmem>>, vector<1x16xf32>,
      %swap3A_131 = vector.shape_cast %swap3A_130 : vector<1x16xf32> to vector<16xf32>
      %swap3A_132 = vector.shape_cast %broadcast_in_dim3A_86 : vector<16xf32> to vector<1x16xf32>
      tpu.vector_store %arg8[%swap3A_128, %swap3A_129], %swap3A_132 {strides = array<i32>} : memref<16x128xf32, #tpu.memory_space<vmem>>, vector<1x16xf32>,
      %swap3A_133 = arith.index_cast %scan3A_111 : i32 to index
      %swap3A_134 = arith.constant 64 : index
      %swap3A_135 = tpu.vector_load %arg8[%swap3A_133, %swap3A_134] {strides = array<i32>} : memref<16x128xf32, #tpu.memory_space<vmem>>, vector<1x16xf32>,
      %swap3A_136 = vector.shape_cast %swap3A_135 : vector<1x16xf32> to vector<16xf32>
      %swap3A_137 = vector.shape_cast %broadcast_in_dim3A_86 : vector<16xf32> to vector<1x16xf32>
      tpu.vector_store %arg8[%swap3A_133, %swap3A_134], %swap3A_137 {strides = array<i32>} : memref<16x128xf32, #tpu.memory_space<vmem>>, vector<1x16xf32>,
      %swap3A_138 = arith.index_cast %scan3A_111 : i32 to index
      %swap3A_139 = arith.constant 80 : index
      %swap3A_140 = tpu.vector_load %arg8[%swap3A_138, %swap3A_139] {strides = array<i32>} : memref<16x128xf32, #tpu.memory_space<vmem>>, vector<1x16xf32>,
      %swap3A_141 = vector.shape_cast %swap3A_140 : vector<1x16xf32> to vector<16xf32>
      %swap3A_142 = vector.shape_cast %broadcast_in_dim3A_86 : vector<16xf32> to vector<1x16xf32>
      tpu.vector_store %arg8[%swap3A_138, %swap3A_139], %swap3A_142 {strides = array<i32>} : memref<16x128xf32, #tpu.memory_space<vmem>>, vector<1x16xf32>,
      %swap3A_143 = arith.index_cast %scan3A_111 : i32 to index
      %swap3A_144 = arith.constant 96 : index
      %swap3A_145 = tpu.vector_load %arg8[%swap3A_143, %swap3A_144] {strides = array<i32>} : memref<16x128xf32, #tpu.memory_space<vmem>>, vector<1x16xf32>,
      %swap3A_146 = vector.shape_cast %swap3A_145 : vector<1x16xf32> to vector<16xf32>
      %swap3A_147 = vector.shape_cast %broadcast_in_dim3A_86 : vector<16xf32> to vector<1x16xf32>
      tpu.vector_store %arg8[%swap3A_143, %swap3A_144], %swap3A_147 {strides = array<i32>} : memref<16x128xf32, #tpu.memory_space<vmem>>, vector<1x16xf32>,
      %swap3A_148 = arith.index_cast %scan3A_111 : i32 to index
      %swap3A_149 = arith.constant 112 : index
      %swap3A_150 = tpu.vector_load %arg8[%swap3A_148, %swap3A_149] {strides = array<i32>} : memref<16x128xf32, #tpu.memory_space<vmem>>, vector<1x16xf32>,
      %swap3A_151 = vector.shape_cast %swap3A_150 : vector<1x16xf32> to vector<16xf32>
      %swap3A_152 = vector.shape_cast %broadcast_in_dim3A_86 : vector<16xf32> to vector<1x16xf32>
      tpu.vector_store %arg8[%swap3A_148, %swap3A_149], %swap3A_152 {strides = array<i32>} : memref<16x128xf32, #tpu.memory_space<vmem>>, vector<1x16xf32>,
      %scan3A_153 = arith.constant 0 : i32
      scf.yield %scan3A_153 : i32
    }
    %scan3A_92 = arith.constant 16 : i32
    %add3A_93 = arith.constant 0 : i32
    %add3A_94 = arith.addi %mul3A_2, %add3A_93 : i32
    %dma_start3A = arith.constant 0 : i32
    %dma_start3A_95 = tpu.memref_slice %arg2[%add3A_94, %dma_start3A] : memref<32768x128xf32, #tpu.memory_space<hbm>> -> memref<256x128xf32, #tpu.memory_space<hbm>>
    %dma_start3A_96 = arith.constant 0 : i32
    %dma_start3A_97 = tpu.memref_slice %arg2[%add3A_94, %dma_start3A_96] : memref<32768x128xf32, #tpu.memory_space<hbm>> -> memref<256x128xf32, #tpu.memory_space<hbm>>
    tpu.enqueue_dma source(%dma_start3A_97 : memref<256x128xf32, #tpu.memory_space<hbm>>) target(%arg5 : memref<256x128xf32, #tpu.memory_space<vmem>>) target_semaphore(%arg10 : memref<!tpu.dma_semaphore, #tpu.memory_space<semaphore_mem>>)
    %add3A_98 = arith.constant 256 : i32
    %add3A_99 = arith.addi %mul3A_2, %add3A_98 : i32
    %dma_start3A_100 = arith.constant 0 : i32
    %dma_start3A_101 = tpu.memref_slice %arg2[%add3A_99, %dma_start3A_100] : memref<32768x128xf32, #tpu.memory_space<hbm>> -> memref<256x128xf32, #tpu.memory_space<hbm>>
    %dma_start3A_102 = arith.constant 0 : i32
    %dma_start3A_103 = tpu.memref_slice %arg2[%add3A_99, %dma_start3A_102] : memref<32768x128xf32, #tpu.memory_space<hbm>> -> memref<256x128xf32, #tpu.memory_space<hbm>>
    tpu.enqueue_dma source(%dma_start3A_103 : memref<256x128xf32, #tpu.memory_space<hbm>>) target(%arg6 : memref<256x128xf32, #tpu.memory_space<vmem>>) target_semaphore(%arg11 : memref<!tpu.dma_semaphore, #tpu.memory_space<semaphore_mem>>)
    %scan3A_104 = arith.constant 0 : i32
    %scan3A_105 = arith.constant 0 : i32
    %scan3A_106 = arith.constant 2 : i32
    %scan3A_107 = arith.addi %scan3A_105, %scan3A_106 : i32
    %scan3A_108 = arith.constant 1 : i32
    %scan3A_109 = scf.for %scan3A_111 = %scan3A_105 to %scan3A_107 step %scan3A_108 iter_args(%scan3A_112 = %scan3A_104) -> (i32)  : i32 {
      %mul3A_113 = arith.constant 2 : i32
      %mul3A_114 = arith.muli %mul3A_113, %scan3A_111 : i32
      %mul3A_115 = arith.constant 256 : i32
      %mul3A_116 = arith.muli %mul3A_114, %mul3A_115 : i32
      %add3A_117 = arith.addi %mul3A_2, %mul3A_116 : i32
      %dma_wait3A = arith.constant 0 : i32
      %dma_wait3A_118 = tpu.memref_slice %arg2[%add3A_117, %dma_wait3A] : memref<32768x128xf32, #tpu.memory_space<hbm>> -> memref<256x128xf32, #tpu.memory_space<hbm>>
      %dma_wait3A_119 = arith.constant 0 : i32
      %dma_wait3A_120 = tpu.memref_slice %arg2[%add3A_117, %dma_wait3A_119] : memref<32768x128xf32, #tpu.memory_space<hbm>> -> memref<256x128xf32, #tpu.memory_space<hbm>>
      tpu.wait_dma2 semaphore(%arg10 : memref<!tpu.dma_semaphore, #tpu.memory_space<semaphore_mem>>) src(%dma_wait3A_120 : memref<256x128xf32, #tpu.memory_space<hbm>>) dst(%arg5 : memref<256x128xf32, #tpu.memory_space<vmem>>)
      %mul3A_121 = arith.constant 256 : i32
      %mul3A_122 = arith.muli %mul3A_114, %mul3A_121 : i32
      %add3A_123 = arith.addi %mul3A_2, %mul3A_122 : i32
      %scan3A_124 = arith.constant 0 : i32
      %scan3A_125 = arith.constant 0 : i32
      %scan3A_126 = arith.constant 16 : i32
      %scan3A_127 = arith.addi %scan3A_125, %scan3A_126 : i32
      %scan3A_128 = arith.constant 1 : i32
      %scan3A_129 = scf.for %scan3A_164 = %scan3A_125 to %scan3A_127 step %scan3A_128 iter_args(%scan3A_165 = %scan3A_124) -> (i32)  : i32 {
        %get3A_166 = arith.index_cast %scan3A_164 : i32 to index
        %get3A_167 = memref.load %arg9[%get3A_166] : memref<17xi32, #tpu.memory_space<smem>>
        %max3A = arith.maxsi %get3A_167, %add3A_123 : i32
        %add3A_168 = arith.constant 1 : i32
        %add3A_169 = arith.addi %scan3A_164, %add3A_168 : i32
        %get3A_170 = arith.index_cast %add3A_169 : i32 to index
        %get3A_171 = memref.load %arg9[%get3A_170] : memref<17xi32, #tpu.memory_space<smem>>
        %add3A_172 = arith.constant 256 : i32
        %add3A_173 = arith.addi %add3A_123, %add3A_172 : i32
        %min3A = arith.minsi %get3A_171, %add3A_173 : i32
        %lt3A_174 = arith.cmpi slt, %max3A, %min3A : i32
        %convert_element_type3A_175 = arith.extui %lt3A_174 : i1 to i32
        %cond3A_176 = arith.constant 0 : i32
        %cond3A_177 = arith.cmpi ne, %convert_element_type3A_175, %cond3A_176 : i32
        scf.if %cond3A_177 {
          %while3A = arith.subi %min3A, %max3A : i32
          %while3A_179 = arith.addi %max3A, %while3A : i32
          %while3A_180 = arith.constant 1 : i32
          %while3A_181 = arith.divsi %while3A, %while3A_180 : i32
          %while3A_182 = arith.muli %while3A_181, %while3A_180 : i32
          %while3A_183 = arith.addi %max3A, %while3A_182 : i32
          %while3A_184 = arith.constant 1 : i32
          %while3A_185:8 = scf.for %while3A_268 = %max3A to %while3A_183 step %while3A_184 iter_args(%while3A_269 = %broadcast_in_dim3A_86, %while3A_270 = %broadcast_in_dim3A_86, %while3A_271 = %broadcast_in_dim3A_86, %while3A_272 = %broadcast_in_dim3A_86, %while3A_273 = %broadcast_in_dim3A_86, %while3A_274 = %broadcast_in_dim3A_86, %while3A_275 = %broadcast_in_dim3A_86, %while3A_276 = %broadcast_in_dim3A_86) -> (vector<16xf32>, vector<16xf32>, vector<16xf32>, vector<16xf32>, vector<16xf32>, vector<16xf32>, vector<16xf32>, vector<16xf32>)  : i32 {
            %sub3A = arith.subi %while3A_268, %add3A_123 : i32
            %get3A_277 = arith.index_cast %sub3A : i32 to index
            %get3A_278 = arith.constant 0 : index
            %get3A_279 = tpu.vector_load %arg5[%get3A_277, %get3A_278] {strides = array<i32>} : memref<256x128xf32, #tpu.memory_space<vmem>>, vector<1x16xf32>,
            %get3A_280 = vector.shape_cast %get3A_279 : vector<1x16xf32> to vector<16xf32>
            %add3A_281 = arith.addf %while3A_269, %get3A_280 : vector<16xf32>
            %get3A_282 = arith.index_cast %sub3A : i32 to index
            %get3A_283 = arith.constant 16 : index
            %get3A_284 = tpu.vector_load %arg5[%get3A_282, %get3A_283] {strides = array<i32>} : memref<256x128xf32, #tpu.memory_space<vmem>>, vector<1x16xf32>,
            %get3A_285 = vector.shape_cast %get3A_284 : vector<1x16xf32> to vector<16xf32>
            %add3A_286 = arith.addf %while3A_270, %get3A_285 : vector<16xf32>
            %get3A_287 = arith.index_cast %sub3A : i32 to index
            %get3A_288 = arith.constant 32 : index
            %get3A_289 = tpu.vector_load %arg5[%get3A_287, %get3A_288] {strides = array<i32>} : memref<256x128xf32, #tpu.memory_space<vmem>>, vector<1x16xf32>,
            %get3A_290 = vector.shape_cast %get3A_289 : vector<1x16xf32> to vector<16xf32>
            %add3A_291 = arith.addf %while3A_271, %get3A_290 : vector<16xf32>
            %get3A_292 = arith.index_cast %sub3A : i32 to index
            %get3A_293 = arith.constant 48 : index
            %get3A_294 = tpu.vector_load %arg5[%get3A_292, %get3A_293] {strides = array<i32>} : memref<256x128xf32, #tpu.memory_space<vmem>>, vector<1x16xf32>,
            %get3A_295 = vector.shape_cast %get3A_294 : vector<1x16xf32> to vector<16xf32>
            %add3A_296 = arith.addf %while3A_272, %get3A_295 : vector<16xf32>
            %get3A_297 = arith.index_cast %sub3A : i32 to index
            %get3A_298 = arith.constant 64 : index
            %get3A_299 = tpu.vector_load %arg5[%get3A_297, %get3A_298] {strides = array<i32>} : memref<256x128xf32, #tpu.memory_space<vmem>>, vector<1x16xf32>,
            %get3A_300 = vector.shape_cast %get3A_299 : vector<1x16xf32> to vector<16xf32>
            %add3A_301 = arith.addf %while3A_273, %get3A_300 : vector<16xf32>
            %get3A_302 = arith.index_cast %sub3A : i32 to index
            %get3A_303 = arith.constant 80 : index
            %get3A_304 = tpu.vector_load %arg5[%get3A_302, %get3A_303] {strides = array<i32>} : memref<256x128xf32, #tpu.memory_space<vmem>>, vector<1x16xf32>,
            %get3A_305 = vector.shape_cast %get3A_304 : vector<1x16xf32> to vector<16xf32>
            %add3A_306 = arith.addf %while3A_274, %get3A_305 : vector<16xf32>
            %get3A_307 = arith.index_cast %sub3A : i32 to index
            %get3A_308 = arith.constant 96 : index
            %get3A_309 = tpu.vector_load %arg5[%get3A_307, %get3A_308] {strides = array<i32>} : memref<256x128xf32, #tpu.memory_space<vmem>>, vector<1x16xf32>,
            %get3A_310 = vector.shape_cast %get3A_309 : vector<1x16xf32> to vector<16xf32>
            %add3A_311 = arith.addf %while3A_275, %get3A_310 : vector<16xf32>
            %get3A_312 = arith.index_cast %sub3A : i32 to index
            %get3A_313 = arith.constant 112 : index
            %get3A_314 = tpu.vector_load %arg5[%get3A_312, %get3A_313] {strides = array<i32>} : memref<256x128xf32, #tpu.memory_space<vmem>>, vector<1x16xf32>,
            %get3A_315 = vector.shape_cast %get3A_314 : vector<1x16xf32> to vector<16xf32>
            %add3A_316 = arith.addf %while3A_276, %get3A_315 : vector<16xf32>
            scf.yield %add3A_281, %add3A_286, %add3A_291, %add3A_296, %add3A_301, %add3A_306, %add3A_311, %add3A_316 : vector<16xf32>, vector<16xf32>, vector<16xf32>, vector<16xf32>, vector<16xf32>, vector<16xf32>, vector<16xf32>, vector<16xf32>
          }
          %while3A_186 = arith.constant 1 : i32
          %while3A_187:8 = scf.for %while3A_268 = %while3A_183 to %while3A_179 step %while3A_186 iter_args(%while3A_269 = %while3A_185#0, %while3A_270 = %while3A_185#1, %while3A_271 = %while3A_185#2, %while3A_272 = %while3A_185#3, %while3A_273 = %while3A_185#4, %while3A_274 = %while3A_185#5, %while3A_275 = %while3A_185#6, %while3A_276 = %while3A_185#7) -> (vector<16xf32>, vector<16xf32>, vector<16xf32>, vector<16xf32>, vector<16xf32>, vector<16xf32>, vector<16xf32>, vector<16xf32>)  : i32 {
            %sub3A = arith.subi %while3A_268, %add3A_123 : i32
            %get3A_277 = arith.index_cast %sub3A : i32 to index
            %get3A_278 = arith.constant 0 : index
            %get3A_279 = tpu.vector_load %arg5[%get3A_277, %get3A_278] {strides = array<i32>} : memref<256x128xf32, #tpu.memory_space<vmem>>, vector<1x16xf32>,
            %get3A_280 = vector.shape_cast %get3A_279 : vector<1x16xf32> to vector<16xf32>
            %add3A_281 = arith.addf %while3A_269, %get3A_280 : vector<16xf32>
            %get3A_282 = arith.index_cast %sub3A : i32 to index
            %get3A_283 = arith.constant 16 : index
            %get3A_284 = tpu.vector_load %arg5[%get3A_282, %get3A_283] {strides = array<i32>} : memref<256x128xf32, #tpu.memory_space<vmem>>, vector<1x16xf32>,
            %get3A_285 = vector.shape_cast %get3A_284 : vector<1x16xf32> to vector<16xf32>
            %add3A_286 = arith.addf %while3A_270, %get3A_285 : vector<16xf32>
            %get3A_287 = arith.index_cast %sub3A : i32 to index
            %get3A_288 = arith.constant 32 : index
            %get3A_289 = tpu.vector_load %arg5[%get3A_287, %get3A_288] {strides = array<i32>} : memref<256x128xf32, #tpu.memory_space<vmem>>, vector<1x16xf32>,
            %get3A_290 = vector.shape_cast %get3A_289 : vector<1x16xf32> to vector<16xf32>
            %add3A_291 = arith.addf %while3A_271, %get3A_290 : vector<16xf32>
            %get3A_292 = arith.index_cast %sub3A : i32 to index
            %get3A_293 = arith.constant 48 : index
            %get3A_294 = tpu.vector_load %arg5[%get3A_292, %get3A_293] {strides = array<i32>} : memref<256x128xf32, #tpu.memory_space<vmem>>, vector<1x16xf32>,
            %get3A_295 = vector.shape_cast %get3A_294 : vector<1x16xf32> to vector<16xf32>
            %add3A_296 = arith.addf %while3A_272, %get3A_295 : vector<16xf32>
            %get3A_297 = arith.index_cast %sub3A : i32 to index
            %get3A_298 = arith.constant 64 : index
            %get3A_299 = tpu.vector_load %arg5[%get3A_297, %get3A_298] {strides = array<i32>} : memref<256x128xf32, #tpu.memory_space<vmem>>, vector<1x16xf32>,
            %get3A_300 = vector.shape_cast %get3A_299 : vector<1x16xf32> to vector<16xf32>
            %add3A_301 = arith.addf %while3A_273, %get3A_300 : vector<16xf32>
            %get3A_302 = arith.index_cast %sub3A : i32 to index
            %get3A_303 = arith.constant 80 : index
            %get3A_304 = tpu.vector_load %arg5[%get3A_302, %get3A_303] {strides = array<i32>} : memref<256x128xf32, #tpu.memory_space<vmem>>, vector<1x16xf32>,
            %get3A_305 = vector.shape_cast %get3A_304 : vector<1x16xf32> to vector<16xf32>
            %add3A_306 = arith.addf %while3A_274, %get3A_305 : vector<16xf32>
            %get3A_307 = arith.index_cast %sub3A : i32 to index
            %get3A_308 = arith.constant 96 : index
            %get3A_309 = tpu.vector_load %arg5[%get3A_307, %get3A_308] {strides = array<i32>} : memref<256x128xf32, #tpu.memory_space<vmem>>, vector<1x16xf32>,
            %get3A_310 = vector.shape_cast %get3A_309 : vector<1x16xf32> to vector<16xf32>
            %add3A_311 = arith.addf %while3A_275, %get3A_310 : vector<16xf32>
            %get3A_312 = arith.index_cast %sub3A : i32 to index
            %get3A_313 = arith.constant 112 : index
            %get3A_314 = tpu.vector_load %arg5[%get3A_312, %get3A_313] {strides = array<i32>} : memref<256x128xf32, #tpu.memory_space<vmem>>, vector<1x16xf32>,
            %get3A_315 = vector.shape_cast %get3A_314 : vector<1x16xf32> to vector<16xf32>
            %add3A_316 = arith.addf %while3A_276, %get3A_315 : vector<16xf32>
            scf.yield %add3A_281, %add3A_286, %add3A_291, %add3A_296, %add3A_301, %add3A_306, %add3A_311, %add3A_316 : vector<16xf32>, vector<16xf32>, vector<16xf32>, vector<16xf32>, vector<16xf32>, vector<16xf32>, vector<16xf32>, vector<16xf32>
          }
          %get3A_188 = arith.index_cast %scan3A_164 : i32 to index
          %get3A_189 = arith.constant 0 : index
          %get3A_190 = tpu.vector_load %arg8[%get3A_188, %get3A_189] {strides = array<i32>} : memref<16x128xf32, #tpu.memory_space<vmem>>, vector<1x16xf32>,
          %get3A_191 = vector.shape_cast %get3A_190 : vector<1x16xf32> to vector<16xf32>
          %add3A_192 = arith.addf %get3A_191, %while3A_187#0 : vector<16xf32>
          %swap3A_193 = arith.index_cast %scan3A_164 : i32 to index
          %swap3A_194 = arith.constant 0 : index
          %swap3A_195 = tpu.vector_load %arg8[%swap3A_193, %swap3A_194] {strides = array<i32>} : memref<16x128xf32, #tpu.memory_space<vmem>>, vector<1x16xf32>,
          %swap3A_196 = vector.shape_cast %swap3A_195 : vector<1x16xf32> to vector<16xf32>
          %swap3A_197 = vector.shape_cast %add3A_192 : vector<16xf32> to vector<1x16xf32>
          tpu.vector_store %arg8[%swap3A_193, %swap3A_194], %swap3A_197 {strides = array<i32>} : memref<16x128xf32, #tpu.memory_space<vmem>>, vector<1x16xf32>,
          %get3A_198 = arith.index_cast %scan3A_164 : i32 to index
          %get3A_199 = arith.constant 16 : index
          %get3A_200 = tpu.vector_load %arg8[%get3A_198, %get3A_199] {strides = array<i32>} : memref<16x128xf32, #tpu.memory_space<vmem>>, vector<1x16xf32>,
          %get3A_201 = vector.shape_cast %get3A_200 : vector<1x16xf32> to vector<16xf32>
          %add3A_202 = arith.addf %get3A_201, %while3A_187#1 : vector<16xf32>
          %swap3A_203 = arith.index_cast %scan3A_164 : i32 to index
          %swap3A_204 = arith.constant 16 : index
          %swap3A_205 = tpu.vector_load %arg8[%swap3A_203, %swap3A_204] {strides = array<i32>} : memref<16x128xf32, #tpu.memory_space<vmem>>, vector<1x16xf32>,
          %swap3A_206 = vector.shape_cast %swap3A_205 : vector<1x16xf32> to vector<16xf32>
          %swap3A_207 = vector.shape_cast %add3A_202 : vector<16xf32> to vector<1x16xf32>
          tpu.vector_store %arg8[%swap3A_203, %swap3A_204], %swap3A_207 {strides = array<i32>} : memref<16x128xf32, #tpu.memory_space<vmem>>, vector<1x16xf32>,
          %get3A_208 = arith.index_cast %scan3A_164 : i32 to index
          %get3A_209 = arith.constant 32 : index
          %get3A_210 = tpu.vector_load %arg8[%get3A_208, %get3A_209] {strides = array<i32>} : memref<16x128xf32, #tpu.memory_space<vmem>>, vector<1x16xf32>,
          %get3A_211 = vector.shape_cast %get3A_210 : vector<1x16xf32> to vector<16xf32>
          %add3A_212 = arith.addf %get3A_211, %while3A_187#2 : vector<16xf32>
          %swap3A_213 = arith.index_cast %scan3A_164 : i32 to index
          %swap3A_214 = arith.constant 32 : index
          %swap3A_215 = tpu.vector_load %arg8[%swap3A_213, %swap3A_214] {strides = array<i32>} : memref<16x128xf32, #tpu.memory_space<vmem>>, vector<1x16xf32>,
          %swap3A_216 = vector.shape_cast %swap3A_215 : vector<1x16xf32> to vector<16xf32>
          %swap3A_217 = vector.shape_cast %add3A_212 : vector<16xf32> to vector<1x16xf32>
          tpu.vector_store %arg8[%swap3A_213, %swap3A_214], %swap3A_217 {strides = array<i32>} : memref<16x128xf32, #tpu.memory_space<vmem>>, vector<1x16xf32>,
          %get3A_218 = arith.index_cast %scan3A_164 : i32 to index
          %get3A_219 = arith.constant 48 : index
          %get3A_220 = tpu.vector_load %arg8[%get3A_218, %get3A_219] {strides = array<i32>} : memref<16x128xf32, #tpu.memory_space<vmem>>, vector<1x16xf32>,
          %get3A_221 = vector.shape_cast %get3A_220 : vector<1x16xf32> to vector<16xf32>
          %add3A_222 = arith.addf %get3A_221, %while3A_187#3 : vector<16xf32>
          %swap3A_223 = arith.index_cast %scan3A_164 : i32 to index
          %swap3A_224 = arith.constant 48 : index
          %swap3A_225 = tpu.vector_load %arg8[%swap3A_223, %swap3A_224] {strides = array<i32>} : memref<16x128xf32, #tpu.memory_space<vmem>>, vector<1x16xf32>,
          %swap3A_226 = vector.shape_cast %swap3A_225 : vector<1x16xf32> to vector<16xf32>
          %swap3A_227 = vector.shape_cast %add3A_222 : vector<16xf32> to vector<1x16xf32>
          tpu.vector_store %arg8[%swap3A_223, %swap3A_224], %swap3A_227 {strides = array<i32>} : memref<16x128xf32, #tpu.memory_space<vmem>>, vector<1x16xf32>,
          %get3A_228 = arith.index_cast %scan3A_164 : i32 to index
          %get3A_229 = arith.constant 64 : index
          %get3A_230 = tpu.vector_load %arg8[%get3A_228, %get3A_229] {strides = array<i32>} : memref<16x128xf32, #tpu.memory_space<vmem>>, vector<1x16xf32>,
          %get3A_231 = vector.shape_cast %get3A_230 : vector<1x16xf32> to vector<16xf32>
          %add3A_232 = arith.addf %get3A_231, %while3A_187#4 : vector<16xf32>
          %swap3A_233 = arith.index_cast %scan3A_164 : i32 to index
          %swap3A_234 = arith.constant 64 : index
          %swap3A_235 = tpu.vector_load %arg8[%swap3A_233, %swap3A_234] {strides = array<i32>} : memref<16x128xf32, #tpu.memory_space<vmem>>, vector<1x16xf32>,
          %swap3A_236 = vector.shape_cast %swap3A_235 : vector<1x16xf32> to vector<16xf32>
          %swap3A_237 = vector.shape_cast %add3A_232 : vector<16xf32> to vector<1x16xf32>
          tpu.vector_store %arg8[%swap3A_233, %swap3A_234], %swap3A_237 {strides = array<i32>} : memref<16x128xf32, #tpu.memory_space<vmem>>, vector<1x16xf32>,
          %get3A_238 = arith.index_cast %scan3A_164 : i32 to index
          %get3A_239 = arith.constant 80 : index
          %get3A_240 = tpu.vector_load %arg8[%get3A_238, %get3A_239] {strides = array<i32>} : memref<16x128xf32, #tpu.memory_space<vmem>>, vector<1x16xf32>,
          %get3A_241 = vector.shape_cast %get3A_240 : vector<1x16xf32> to vector<16xf32>
          %add3A_242 = arith.addf %get3A_241, %while3A_187#5 : vector<16xf32>
          %swap3A_243 = arith.index_cast %scan3A_164 : i32 to index
          %swap3A_244 = arith.constant 80 : index
          %swap3A_245 = tpu.vector_load %arg8[%swap3A_243, %swap3A_244] {strides = array<i32>} : memref<16x128xf32, #tpu.memory_space<vmem>>, vector<1x16xf32>,
          %swap3A_246 = vector.shape_cast %swap3A_245 : vector<1x16xf32> to vector<16xf32>
          %swap3A_247 = vector.shape_cast %add3A_242 : vector<16xf32> to vector<1x16xf32>
          tpu.vector_store %arg8[%swap3A_243, %swap3A_244], %swap3A_247 {strides = array<i32>} : memref<16x128xf32, #tpu.memory_space<vmem>>, vector<1x16xf32>,
          %get3A_248 = arith.index_cast %scan3A_164 : i32 to index
          %get3A_249 = arith.constant 96 : index
          %get3A_250 = tpu.vector_load %arg8[%get3A_248, %get3A_249] {strides = array<i32>} : memref<16x128xf32, #tpu.memory_space<vmem>>, vector<1x16xf32>,
          %get3A_251 = vector.shape_cast %get3A_250 : vector<1x16xf32> to vector<16xf32>
          %add3A_252 = arith.addf %get3A_251, %while3A_187#6 : vector<16xf32>
          %swap3A_253 = arith.index_cast %scan3A_164 : i32 to index
          %swap3A_254 = arith.constant 96 : index
          %swap3A_255 = tpu.vector_load %arg8[%swap3A_253, %swap3A_254] {strides = array<i32>} : memref<16x128xf32, #tpu.memory_space<vmem>>, vector<1x16xf32>,
          %swap3A_256 = vector.shape_cast %swap3A_255 : vector<1x16xf32> to vector<16xf32>
          %swap3A_257 = vector.shape_cast %add3A_252 : vector<16xf32> to vector<1x16xf32>
          tpu.vector_store %arg8[%swap3A_253, %swap3A_254], %swap3A_257 {strides = array<i32>} : memref<16x128xf32, #tpu.memory_space<vmem>>, vector<1x16xf32>,
          %get3A_258 = arith.index_cast %scan3A_164 : i32 to index
          %get3A_259 = arith.constant 112 : index
          %get3A_260 = tpu.vector_load %arg8[%get3A_258, %get3A_259] {strides = array<i32>} : memref<16x128xf32, #tpu.memory_space<vmem>>, vector<1x16xf32>,
          %get3A_261 = vector.shape_cast %get3A_260 : vector<1x16xf32> to vector<16xf32>
          %add3A_262 = arith.addf %get3A_261, %while3A_187#7 : vector<16xf32>
          %swap3A_263 = arith.index_cast %scan3A_164 : i32 to index
          %swap3A_264 = arith.constant 112 : index
          %swap3A_265 = tpu.vector_load %arg8[%swap3A_263, %swap3A_264] {strides = array<i32>} : memref<16x128xf32, #tpu.memory_space<vmem>>, vector<1x16xf32>,
          %swap3A_266 = vector.shape_cast %swap3A_265 : vector<1x16xf32> to vector<16xf32>
          %swap3A_267 = vector.shape_cast %add3A_262 : vector<16xf32> to vector<1x16xf32>
          tpu.vector_store %arg8[%swap3A_263, %swap3A_264], %swap3A_267 {strides = array<i32>} : memref<16x128xf32, #tpu.memory_space<vmem>>, vector<1x16xf32>,
        } else {
        }
        %scan3A_178 = arith.constant 0 : i32
        scf.yield %scan3A_178 : i32
      }
      %scan3A_130 = arith.constant 16 : i32
      %add3A_131 = arith.constant 2 : i32
      %add3A_132 = arith.addi %mul3A_114, %add3A_131 : i32
      %lt3A = arith.constant 4 : i32
      %lt3A_133 = arith.cmpi slt, %add3A_132, %lt3A : i32
      %convert_element_type3A = arith.extui %lt3A_133 : i1 to i32
      %cond3A = arith.constant 0 : i32
      %cond3A_134 = arith.cmpi ne, %convert_element_type3A, %cond3A : i32
      scf.if %cond3A_134 {
        %add3A_164 = arith.constant 2 : i32
        %add3A_165 = arith.addi %mul3A_114, %add3A_164 : i32
        %mul3A_166 = arith.constant 256 : i32
        %mul3A_167 = arith.muli %add3A_165, %mul3A_166 : i32
        %add3A_168 = arith.addi %mul3A_2, %mul3A_167 : i32
        %dma_start3A_169 = arith.constant 0 : i32
        %dma_start3A_170 = tpu.memref_slice %arg2[%add3A_168, %dma_start3A_169] : memref<32768x128xf32, #tpu.memory_space<hbm>> -> memref<256x128xf32, #tpu.memory_space<hbm>>
        %dma_start3A_171 = arith.constant 0 : i32
        %dma_start3A_172 = tpu.memref_slice %arg2[%add3A_168, %dma_start3A_171] : memref<32768x128xf32, #tpu.memory_space<hbm>> -> memref<256x128xf32, #tpu.memory_space<hbm>>
        tpu.enqueue_dma source(%dma_start3A_172 : memref<256x128xf32, #tpu.memory_space<hbm>>) target(%arg5 : memref<256x128xf32, #tpu.memory_space<vmem>>) target_semaphore(%arg10 : memref<!tpu.dma_semaphore, #tpu.memory_space<semaphore_mem>>)
      } else {
      }
      %add3A_135 = arith.constant 1 : i32
      %add3A_136 = arith.addi %mul3A_114, %add3A_135 : i32
      %mul3A_137 = arith.constant 256 : i32
      %mul3A_138 = arith.muli %add3A_136, %mul3A_137 : i32
      %add3A_139 = arith.addi %mul3A_2, %mul3A_138 : i32
      %dma_wait3A_140 = arith.constant 0 : i32
      %dma_wait3A_141 = tpu.memref_slice %arg2[%add3A_139, %dma_wait3A_140] : memref<32768x128xf32, #tpu.memory_space<hbm>> -> memref<256x128xf32, #tpu.memory_space<hbm>>
      %dma_wait3A_142 = arith.constant 0 : i32
      %dma_wait3A_143 = tpu.memref_slice %arg2[%add3A_139, %dma_wait3A_142] : memref<32768x128xf32, #tpu.memory_space<hbm>> -> memref<256x128xf32, #tpu.memory_space<hbm>>
      tpu.wait_dma2 semaphore(%arg11 : memref<!tpu.dma_semaphore, #tpu.memory_space<semaphore_mem>>) src(%dma_wait3A_143 : memref<256x128xf32, #tpu.memory_space<hbm>>) dst(%arg6 : memref<256x128xf32, #tpu.memory_space<vmem>>)
      %add3A_144 = arith.constant 1 : i32
      %add3A_145 = arith.addi %mul3A_114, %add3A_144 : i32
      %mul3A_146 = arith.constant 256 : i32
      %mul3A_147 = arith.muli %add3A_145, %mul3A_146 : i32
      %add3A_148 = arith.addi %mul3A_2, %mul3A_147 : i32
      %scan3A_149 = arith.constant 0 : i32
      %scan3A_150 = arith.constant 0 : i32
      %scan3A_151 = arith.constant 16 : i32
      %scan3A_152 = arith.addi %scan3A_150, %scan3A_151 : i32
      %scan3A_153 = arith.constant 1 : i32
      %scan3A_154 = scf.for %scan3A_164 = %scan3A_150 to %scan3A_152 step %scan3A_153 iter_args(%scan3A_165 = %scan3A_149) -> (i32)  : i32 {
        %get3A_166 = arith.index_cast %scan3A_164 : i32 to index
        %get3A_167 = memref.load %arg9[%get3A_166] : memref<17xi32, #tpu.memory_space<smem>>
        %max3A = arith.maxsi %get3A_167, %add3A_148 : i32
        %add3A_168 = arith.constant 1 : i32
        %add3A_169 = arith.addi %scan3A_164, %add3A_168 : i32
        %get3A_170 = arith.index_cast %add3A_169 : i32 to index
        %get3A_171 = memref.load %arg9[%get3A_170] : memref<17xi32, #tpu.memory_space<smem>>
        %add3A_172 = arith.constant 256 : i32
        %add3A_173 = arith.addi %add3A_148, %add3A_172 : i32
        %min3A = arith.minsi %get3A_171, %add3A_173 : i32
        %lt3A_174 = arith.cmpi slt, %max3A, %min3A : i32
        %convert_element_type3A_175 = arith.extui %lt3A_174 : i1 to i32
        %cond3A_176 = arith.constant 0 : i32
        %cond3A_177 = arith.cmpi ne, %convert_element_type3A_175, %cond3A_176 : i32
        scf.if %cond3A_177 {
          %while3A = arith.subi %min3A, %max3A : i32
          %while3A_179 = arith.addi %max3A, %while3A : i32
          %while3A_180 = arith.constant 1 : i32
          %while3A_181 = arith.divsi %while3A, %while3A_180 : i32
          %while3A_182 = arith.muli %while3A_181, %while3A_180 : i32
          %while3A_183 = arith.addi %max3A, %while3A_182 : i32
          %while3A_184 = arith.constant 1 : i32
          %while3A_185:8 = scf.for %while3A_268 = %max3A to %while3A_183 step %while3A_184 iter_args(%while3A_269 = %broadcast_in_dim3A_86, %while3A_270 = %broadcast_in_dim3A_86, %while3A_271 = %broadcast_in_dim3A_86, %while3A_272 = %broadcast_in_dim3A_86, %while3A_273 = %broadcast_in_dim3A_86, %while3A_274 = %broadcast_in_dim3A_86, %while3A_275 = %broadcast_in_dim3A_86, %while3A_276 = %broadcast_in_dim3A_86) -> (vector<16xf32>, vector<16xf32>, vector<16xf32>, vector<16xf32>, vector<16xf32>, vector<16xf32>, vector<16xf32>, vector<16xf32>)  : i32 {
            %sub3A = arith.subi %while3A_268, %add3A_148 : i32
            %get3A_277 = arith.index_cast %sub3A : i32 to index
            %get3A_278 = arith.constant 0 : index
            %get3A_279 = tpu.vector_load %arg6[%get3A_277, %get3A_278] {strides = array<i32>} : memref<256x128xf32, #tpu.memory_space<vmem>>, vector<1x16xf32>,
            %get3A_280 = vector.shape_cast %get3A_279 : vector<1x16xf32> to vector<16xf32>
            %add3A_281 = arith.addf %while3A_269, %get3A_280 : vector<16xf32>
            %get3A_282 = arith.index_cast %sub3A : i32 to index
            %get3A_283 = arith.constant 16 : index
            %get3A_284 = tpu.vector_load %arg6[%get3A_282, %get3A_283] {strides = array<i32>} : memref<256x128xf32, #tpu.memory_space<vmem>>, vector<1x16xf32>,
            %get3A_285 = vector.shape_cast %get3A_284 : vector<1x16xf32> to vector<16xf32>
            %add3A_286 = arith.addf %while3A_270, %get3A_285 : vector<16xf32>
            %get3A_287 = arith.index_cast %sub3A : i32 to index
            %get3A_288 = arith.constant 32 : index
            %get3A_289 = tpu.vector_load %arg6[%get3A_287, %get3A_288] {strides = array<i32>} : memref<256x128xf32, #tpu.memory_space<vmem>>, vector<1x16xf32>,
            %get3A_290 = vector.shape_cast %get3A_289 : vector<1x16xf32> to vector<16xf32>
            %add3A_291 = arith.addf %while3A_271, %get3A_290 : vector<16xf32>
            %get3A_292 = arith.index_cast %sub3A : i32 to index
            %get3A_293 = arith.constant 48 : index
            %get3A_294 = tpu.vector_load %arg6[%get3A_292, %get3A_293] {strides = array<i32>} : memref<256x128xf32, #tpu.memory_space<vmem>>, vector<1x16xf32>,
            %get3A_295 = vector.shape_cast %get3A_294 : vector<1x16xf32> to vector<16xf32>
            %add3A_296 = arith.addf %while3A_272, %get3A_295 : vector<16xf32>
            %get3A_297 = arith.index_cast %sub3A : i32 to index
            %get3A_298 = arith.constant 64 : index
            %get3A_299 = tpu.vector_load %arg6[%get3A_297, %get3A_298] {strides = array<i32>} : memref<256x128xf32, #tpu.memory_space<vmem>>, vector<1x16xf32>,
            %get3A_300 = vector.shape_cast %get3A_299 : vector<1x16xf32> to vector<16xf32>
            %add3A_301 = arith.addf %while3A_273, %get3A_300 : vector<16xf32>
            %get3A_302 = arith.index_cast %sub3A : i32 to index
            %get3A_303 = arith.constant 80 : index
            %get3A_304 = tpu.vector_load %arg6[%get3A_302, %get3A_303] {strides = array<i32>} : memref<256x128xf32, #tpu.memory_space<vmem>>, vector<1x16xf32>,
            %get3A_305 = vector.shape_cast %get3A_304 : vector<1x16xf32> to vector<16xf32>
            %add3A_306 = arith.addf %while3A_274, %get3A_305 : vector<16xf32>
            %get3A_307 = arith.index_cast %sub3A : i32 to index
            %get3A_308 = arith.constant 96 : index
            %get3A_309 = tpu.vector_load %arg6[%get3A_307, %get3A_308] {strides = array<i32>} : memref<256x128xf32, #tpu.memory_space<vmem>>, vector<1x16xf32>,
            %get3A_310 = vector.shape_cast %get3A_309 : vector<1x16xf32> to vector<16xf32>
            %add3A_311 = arith.addf %while3A_275, %get3A_310 : vector<16xf32>
            %get3A_312 = arith.index_cast %sub3A : i32 to index
            %get3A_313 = arith.constant 112 : index
            %get3A_314 = tpu.vector_load %arg6[%get3A_312, %get3A_313] {strides = array<i32>} : memref<256x128xf32, #tpu.memory_space<vmem>>, vector<1x16xf32>,
            %get3A_315 = vector.shape_cast %get3A_314 : vector<1x16xf32> to vector<16xf32>
            %add3A_316 = arith.addf %while3A_276, %get3A_315 : vector<16xf32>
            scf.yield %add3A_281, %add3A_286, %add3A_291, %add3A_296, %add3A_301, %add3A_306, %add3A_311, %add3A_316 : vector<16xf32>, vector<16xf32>, vector<16xf32>, vector<16xf32>, vector<16xf32>, vector<16xf32>, vector<16xf32>, vector<16xf32>
          }
          %while3A_186 = arith.constant 1 : i32
          %while3A_187:8 = scf.for %while3A_268 = %while3A_183 to %while3A_179 step %while3A_186 iter_args(%while3A_269 = %while3A_185#0, %while3A_270 = %while3A_185#1, %while3A_271 = %while3A_185#2, %while3A_272 = %while3A_185#3, %while3A_273 = %while3A_185#4, %while3A_274 = %while3A_185#5, %while3A_275 = %while3A_185#6, %while3A_276 = %while3A_185#7) -> (vector<16xf32>, vector<16xf32>, vector<16xf32>, vector<16xf32>, vector<16xf32>, vector<16xf32>, vector<16xf32>, vector<16xf32>)  : i32 {
            %sub3A = arith.subi %while3A_268, %add3A_148 : i32
            %get3A_277 = arith.index_cast %sub3A : i32 to index
            %get3A_278 = arith.constant 0 : index
            %get3A_279 = tpu.vector_load %arg6[%get3A_277, %get3A_278] {strides = array<i32>} : memref<256x128xf32, #tpu.memory_space<vmem>>, vector<1x16xf32>,
            %get3A_280 = vector.shape_cast %get3A_279 : vector<1x16xf32> to vector<16xf32>
            %add3A_281 = arith.addf %while3A_269, %get3A_280 : vector<16xf32>
            %get3A_282 = arith.index_cast %sub3A : i32 to index
            %get3A_283 = arith.constant 16 : index
            %get3A_284 = tpu.vector_load %arg6[%get3A_282, %get3A_283] {strides = array<i32>} : memref<256x128xf32, #tpu.memory_space<vmem>>, vector<1x16xf32>,
            %get3A_285 = vector.shape_cast %get3A_284 : vector<1x16xf32> to vector<16xf32>
            %add3A_286 = arith.addf %while3A_270, %get3A_285 : vector<16xf32>
            %get3A_287 = arith.index_cast %sub3A : i32 to index
            %get3A_288 = arith.constant 32 : index
            %get3A_289 = tpu.vector_load %arg6[%get3A_287, %get3A_288] {strides = array<i32>} : memref<256x128xf32, #tpu.memory_space<vmem>>, vector<1x16xf32>,
            %get3A_290 = vector.shape_cast %get3A_289 : vector<1x16xf32> to vector<16xf32>
            %add3A_291 = arith.addf %while3A_271, %get3A_290 : vector<16xf32>
            %get3A_292 = arith.index_cast %sub3A : i32 to index
            %get3A_293 = arith.constant 48 : index
            %get3A_294 = tpu.vector_load %arg6[%get3A_292, %get3A_293] {strides = array<i32>} : memref<256x128xf32, #tpu.memory_space<vmem>>, vector<1x16xf32>,
            %get3A_295 = vector.shape_cast %get3A_294 : vector<1x16xf32> to vector<16xf32>
            %add3A_296 = arith.addf %while3A_272, %get3A_295 : vector<16xf32>
            %get3A_297 = arith.index_cast %sub3A : i32 to index
            %get3A_298 = arith.constant 64 : index
            %get3A_299 = tpu.vector_load %arg6[%get3A_297, %get3A_298] {strides = array<i32>} : memref<256x128xf32, #tpu.memory_space<vmem>>, vector<1x16xf32>,
            %get3A_300 = vector.shape_cast %get3A_299 : vector<1x16xf32> to vector<16xf32>
            %add3A_301 = arith.addf %while3A_273, %get3A_300 : vector<16xf32>
            %get3A_302 = arith.index_cast %sub3A : i32 to index
            %get3A_303 = arith.constant 80 : index
            %get3A_304 = tpu.vector_load %arg6[%get3A_302, %get3A_303] {strides = array<i32>} : memref<256x128xf32, #tpu.memory_space<vmem>>, vector<1x16xf32>,
            %get3A_305 = vector.shape_cast %get3A_304 : vector<1x16xf32> to vector<16xf32>
            %add3A_306 = arith.addf %while3A_274, %get3A_305 : vector<16xf32>
            %get3A_307 = arith.index_cast %sub3A : i32 to index
            %get3A_308 = arith.constant 96 : index
            %get3A_309 = tpu.vector_load %arg6[%get3A_307, %get3A_308] {strides = array<i32>} : memref<256x128xf32, #tpu.memory_space<vmem>>, vector<1x16xf32>,
            %get3A_310 = vector.shape_cast %get3A_309 : vector<1x16xf32> to vector<16xf32>
            %add3A_311 = arith.addf %while3A_275, %get3A_310 : vector<16xf32>
            %get3A_312 = arith.index_cast %sub3A : i32 to index
            %get3A_313 = arith.constant 112 : index
            %get3A_314 = tpu.vector_load %arg6[%get3A_312, %get3A_313] {strides = array<i32>} : memref<256x128xf32, #tpu.memory_space<vmem>>, vector<1x16xf32>,
            %get3A_315 = vector.shape_cast %get3A_314 : vector<1x16xf32> to vector<16xf32>
            %add3A_316 = arith.addf %while3A_276, %get3A_315 : vector<16xf32>
            scf.yield %add3A_281, %add3A_286, %add3A_291, %add3A_296, %add3A_301, %add3A_306, %add3A_311, %add3A_316 : vector<16xf32>, vector<16xf32>, vector<16xf32>, vector<16xf32>, vector<16xf32>, vector<16xf32>, vector<16xf32>, vector<16xf32>
          }
          %get3A_188 = arith.index_cast %scan3A_164 : i32 to index
          %get3A_189 = arith.constant 0 : index
          %get3A_190 = tpu.vector_load %arg8[%get3A_188, %get3A_189] {strides = array<i32>} : memref<16x128xf32, #tpu.memory_space<vmem>>, vector<1x16xf32>,
          %get3A_191 = vector.shape_cast %get3A_190 : vector<1x16xf32> to vector<16xf32>
          %add3A_192 = arith.addf %get3A_191, %while3A_187#0 : vector<16xf32>
          %swap3A_193 = arith.index_cast %scan3A_164 : i32 to index
          %swap3A_194 = arith.constant 0 : index
          %swap3A_195 = tpu.vector_load %arg8[%swap3A_193, %swap3A_194] {strides = array<i32>} : memref<16x128xf32, #tpu.memory_space<vmem>>, vector<1x16xf32>,
          %swap3A_196 = vector.shape_cast %swap3A_195 : vector<1x16xf32> to vector<16xf32>
          %swap3A_197 = vector.shape_cast %add3A_192 : vector<16xf32> to vector<1x16xf32>
          tpu.vector_store %arg8[%swap3A_193, %swap3A_194], %swap3A_197 {strides = array<i32>} : memref<16x128xf32, #tpu.memory_space<vmem>>, vector<1x16xf32>,
          %get3A_198 = arith.index_cast %scan3A_164 : i32 to index
          %get3A_199 = arith.constant 16 : index
          %get3A_200 = tpu.vector_load %arg8[%get3A_198, %get3A_199] {strides = array<i32>} : memref<16x128xf32, #tpu.memory_space<vmem>>, vector<1x16xf32>,
          %get3A_201 = vector.shape_cast %get3A_200 : vector<1x16xf32> to vector<16xf32>
          %add3A_202 = arith.addf %get3A_201, %while3A_187#1 : vector<16xf32>
          %swap3A_203 = arith.index_cast %scan3A_164 : i32 to index
          %swap3A_204 = arith.constant 16 : index
          %swap3A_205 = tpu.vector_load %arg8[%swap3A_203, %swap3A_204] {strides = array<i32>} : memref<16x128xf32, #tpu.memory_space<vmem>>, vector<1x16xf32>,
          %swap3A_206 = vector.shape_cast %swap3A_205 : vector<1x16xf32> to vector<16xf32>
          %swap3A_207 = vector.shape_cast %add3A_202 : vector<16xf32> to vector<1x16xf32>
          tpu.vector_store %arg8[%swap3A_203, %swap3A_204], %swap3A_207 {strides = array<i32>} : memref<16x128xf32, #tpu.memory_space<vmem>>, vector<1x16xf32>,
          %get3A_208 = arith.index_cast %scan3A_164 : i32 to index
          %get3A_209 = arith.constant 32 : index
          %get3A_210 = tpu.vector_load %arg8[%get3A_208, %get3A_209] {strides = array<i32>} : memref<16x128xf32, #tpu.memory_space<vmem>>, vector<1x16xf32>,
          %get3A_211 = vector.shape_cast %get3A_210 : vector<1x16xf32> to vector<16xf32>
          %add3A_212 = arith.addf %get3A_211, %while3A_187#2 : vector<16xf32>
          %swap3A_213 = arith.index_cast %scan3A_164 : i32 to index
          %swap3A_214 = arith.constant 32 : index
          %swap3A_215 = tpu.vector_load %arg8[%swap3A_213, %swap3A_214] {strides = array<i32>} : memref<16x128xf32, #tpu.memory_space<vmem>>, vector<1x16xf32>,
          %swap3A_216 = vector.shape_cast %swap3A_215 : vector<1x16xf32> to vector<16xf32>
          %swap3A_217 = vector.shape_cast %add3A_212 : vector<16xf32> to vector<1x16xf32>
          tpu.vector_store %arg8[%swap3A_213, %swap3A_214], %swap3A_217 {strides = array<i32>} : memref<16x128xf32, #tpu.memory_space<vmem>>, vector<1x16xf32>,
          %get3A_218 = arith.index_cast %scan3A_164 : i32 to index
          %get3A_219 = arith.constant 48 : index
          %get3A_220 = tpu.vector_load %arg8[%get3A_218, %get3A_219] {strides = array<i32>} : memref<16x128xf32, #tpu.memory_space<vmem>>, vector<1x16xf32>,
          %get3A_221 = vector.shape_cast %get3A_220 : vector<1x16xf32> to vector<16xf32>
          %add3A_222 = arith.addf %get3A_221, %while3A_187#3 : vector<16xf32>
          %swap3A_223 = arith.index_cast %scan3A_164 : i32 to index
          %swap3A_224 = arith.constant 48 : index
          %swap3A_225 = tpu.vector_load %arg8[%swap3A_223, %swap3A_224] {strides = array<i32>} : memref<16x128xf32, #tpu.memory_space<vmem>>, vector<1x16xf32>,
          %swap3A_226 = vector.shape_cast %swap3A_225 : vector<1x16xf32> to vector<16xf32>
          %swap3A_227 = vector.shape_cast %add3A_222 : vector<16xf32> to vector<1x16xf32>
          tpu.vector_store %arg8[%swap3A_223, %swap3A_224], %swap3A_227 {strides = array<i32>} : memref<16x128xf32, #tpu.memory_space<vmem>>, vector<1x16xf32>,
          %get3A_228 = arith.index_cast %scan3A_164 : i32 to index
          %get3A_229 = arith.constant 64 : index
          %get3A_230 = tpu.vector_load %arg8[%get3A_228, %get3A_229] {strides = array<i32>} : memref<16x128xf32, #tpu.memory_space<vmem>>, vector<1x16xf32>,
          %get3A_231 = vector.shape_cast %get3A_230 : vector<1x16xf32> to vector<16xf32>
          %add3A_232 = arith.addf %get3A_231, %while3A_187#4 : vector<16xf32>
          %swap3A_233 = arith.index_cast %scan3A_164 : i32 to index
          %swap3A_234 = arith.constant 64 : index
          %swap3A_235 = tpu.vector_load %arg8[%swap3A_233, %swap3A_234] {strides = array<i32>} : memref<16x128xf32, #tpu.memory_space<vmem>>, vector<1x16xf32>,
          %swap3A_236 = vector.shape_cast %swap3A_235 : vector<1x16xf32> to vector<16xf32>
          %swap3A_237 = vector.shape_cast %add3A_232 : vector<16xf32> to vector<1x16xf32>
          tpu.vector_store %arg8[%swap3A_233, %swap3A_234], %swap3A_237 {strides = array<i32>} : memref<16x128xf32, #tpu.memory_space<vmem>>, vector<1x16xf32>,
          %get3A_238 = arith.index_cast %scan3A_164 : i32 to index
          %get3A_239 = arith.constant 80 : index
          %get3A_240 = tpu.vector_load %arg8[%get3A_238, %get3A_239] {strides = array<i32>} : memref<16x128xf32, #tpu.memory_space<vmem>>, vector<1x16xf32>,
          %get3A_241 = vector.shape_cast %get3A_240 : vector<1x16xf32> to vector<16xf32>
          %add3A_242 = arith.addf %get3A_241, %while3A_187#5 : vector<16xf32>
          %swap3A_243 = arith.index_cast %scan3A_164 : i32 to index
          %swap3A_244 = arith.constant 80 : index
          %swap3A_245 = tpu.vector_load %arg8[%swap3A_243, %swap3A_244] {strides = array<i32>} : memref<16x128xf32, #tpu.memory_space<vmem>>, vector<1x16xf32>,
          %swap3A_246 = vector.shape_cast %swap3A_245 : vector<1x16xf32> to vector<16xf32>
          %swap3A_247 = vector.shape_cast %add3A_242 : vector<16xf32> to vector<1x16xf32>
          tpu.vector_store %arg8[%swap3A_243, %swap3A_244], %swap3A_247 {strides = array<i32>} : memref<16x128xf32, #tpu.memory_space<vmem>>, vector<1x16xf32>,
          %get3A_248 = arith.index_cast %scan3A_164 : i32 to index
          %get3A_249 = arith.constant 96 : index
          %get3A_250 = tpu.vector_load %arg8[%get3A_248, %get3A_249] {strides = array<i32>} : memref<16x128xf32, #tpu.memory_space<vmem>>, vector<1x16xf32>,
          %get3A_251 = vector.shape_cast %get3A_250 : vector<1x16xf32> to vector<16xf32>
          %add3A_252 = arith.addf %get3A_251, %while3A_187#6 : vector<16xf32>
          %swap3A_253 = arith.index_cast %scan3A_164 : i32 to index
          %swap3A_254 = arith.constant 96 : index
          %swap3A_255 = tpu.vector_load %arg8[%swap3A_253, %swap3A_254] {strides = array<i32>} : memref<16x128xf32, #tpu.memory_space<vmem>>, vector<1x16xf32>,
          %swap3A_256 = vector.shape_cast %swap3A_255 : vector<1x16xf32> to vector<16xf32>
          %swap3A_257 = vector.shape_cast %add3A_252 : vector<16xf32> to vector<1x16xf32>
          tpu.vector_store %arg8[%swap3A_253, %swap3A_254], %swap3A_257 {strides = array<i32>} : memref<16x128xf32, #tpu.memory_space<vmem>>, vector<1x16xf32>,
          %get3A_258 = arith.index_cast %scan3A_164 : i32 to index
          %get3A_259 = arith.constant 112 : index
          %get3A_260 = tpu.vector_load %arg8[%get3A_258, %get3A_259] {strides = array<i32>} : memref<16x128xf32, #tpu.memory_space<vmem>>, vector<1x16xf32>,
          %get3A_261 = vector.shape_cast %get3A_260 : vector<1x16xf32> to vector<16xf32>
          %add3A_262 = arith.addf %get3A_261, %while3A_187#7 : vector<16xf32>
          %swap3A_263 = arith.index_cast %scan3A_164 : i32 to index
          %swap3A_264 = arith.constant 112 : index
          %swap3A_265 = tpu.vector_load %arg8[%swap3A_263, %swap3A_264] {strides = array<i32>} : memref<16x128xf32, #tpu.memory_space<vmem>>, vector<1x16xf32>,
          %swap3A_266 = vector.shape_cast %swap3A_265 : vector<1x16xf32> to vector<16xf32>
          %swap3A_267 = vector.shape_cast %add3A_262 : vector<16xf32> to vector<1x16xf32>
          tpu.vector_store %arg8[%swap3A_263, %swap3A_264], %swap3A_267 {strides = array<i32>} : memref<16x128xf32, #tpu.memory_space<vmem>>, vector<1x16xf32>,
        } else {
        }
        %scan3A_178 = arith.constant 0 : i32
        scf.yield %scan3A_178 : i32
      }
      %scan3A_155 = arith.constant 16 : i32
      %add3A_156 = arith.constant 3 : i32
      %add3A_157 = arith.addi %mul3A_114, %add3A_156 : i32
      %lt3A_158 = arith.constant 4 : i32
      %lt3A_159 = arith.cmpi slt, %add3A_157, %lt3A_158 : i32
      %convert_element_type3A_160 = arith.extui %lt3A_159 : i1 to i32
      %cond3A_161 = arith.constant 0 : i32
      %cond3A_162 = arith.cmpi ne, %convert_element_type3A_160, %cond3A_161 : i32
      scf.if %cond3A_162 {
        %add3A_164 = arith.constant 3 : i32
        %add3A_165 = arith.addi %mul3A_114, %add3A_164 : i32
        %mul3A_166 = arith.constant 256 : i32
        %mul3A_167 = arith.muli %add3A_165, %mul3A_166 : i32
        %add3A_168 = arith.addi %mul3A_2, %mul3A_167 : i32
        %dma_start3A_169 = arith.constant 0 : i32
        %dma_start3A_170 = tpu.memref_slice %arg2[%add3A_168, %dma_start3A_169] : memref<32768x128xf32, #tpu.memory_space<hbm>> -> memref<256x128xf32, #tpu.memory_space<hbm>>
        %dma_start3A_171 = arith.constant 0 : i32
        %dma_start3A_172 = tpu.memref_slice %arg2[%add3A_168, %dma_start3A_171] : memref<32768x128xf32, #tpu.memory_space<hbm>> -> memref<256x128xf32, #tpu.memory_space<hbm>>
        tpu.enqueue_dma source(%dma_start3A_172 : memref<256x128xf32, #tpu.memory_space<hbm>>) target(%arg6 : memref<256x128xf32, #tpu.memory_space<vmem>>) target_semaphore(%arg11 : memref<!tpu.dma_semaphore, #tpu.memory_space<semaphore_mem>>)
      } else {
      }
      %scan3A_163 = arith.constant 0 : i32
      scf.yield %scan3A_163 : i32
    }
    %scan3A_110 = arith.constant 2 : i32
    "tpu.region"() ({
      %run_scoped3A = tpu.sem_alloc : memref<!tpu.dma_semaphore, #tpu.memory_space<semaphore_mem>>
      %dma_start3A_111 = arith.constant 0 : i32
      %dma_start3A_112 = arith.constant 0 : i32
      %dma_start3A_113 = tpu.memref_slice %arg4[%add3A, %dma_start3A_111, %dma_start3A_112] : memref<32x16x128xf32, #tpu.memory_space<hbm>> -> memref<1x16x128xf32, #tpu.memory_space<hbm>>
      %dma_start3A_114 = tpu.memref_squeeze %dma_start3A_113 : memref<1x16x128xf32, #tpu.memory_space<hbm>> -> memref<16x128xf32, #tpu.memory_space<hbm>>
      %dma_start3A_115 = arith.constant 0 : i32
      %dma_start3A_116 = arith.constant 0 : i32
      %dma_start3A_117 = tpu.memref_slice %arg4[%add3A, %dma_start3A_115, %dma_start3A_116] : memref<32x16x128xf32, #tpu.memory_space<hbm>> -> memref<1x16x128xf32, #tpu.memory_space<hbm>>
      %dma_start3A_118 = tpu.memref_squeeze %dma_start3A_117 : memref<1x16x128xf32, #tpu.memory_space<hbm>> -> memref<16x128xf32, #tpu.memory_space<hbm>>
      tpu.enqueue_dma source(%arg8 : memref<16x128xf32, #tpu.memory_space<vmem>>) target(%dma_start3A_118 : memref<16x128xf32, #tpu.memory_space<hbm>>) target_semaphore(%run_scoped3A : memref<!tpu.dma_semaphore, #tpu.memory_space<semaphore_mem>>)
      %dma_wait3A = arith.constant 0 : i32
      %dma_wait3A_119 = arith.constant 0 : i32
      %dma_wait3A_120 = tpu.memref_slice %arg4[%add3A, %dma_wait3A, %dma_wait3A_119] : memref<32x16x128xf32, #tpu.memory_space<hbm>> -> memref<1x16x128xf32, #tpu.memory_space<hbm>>
      %dma_wait3A_121 = tpu.memref_squeeze %dma_wait3A_120 : memref<1x16x128xf32, #tpu.memory_space<hbm>> -> memref<16x128xf32, #tpu.memory_space<hbm>>
      %dma_wait3A_122 = arith.constant 0 : i32
      %dma_wait3A_123 = arith.constant 0 : i32
      %dma_wait3A_124 = tpu.memref_slice %arg4[%add3A, %dma_wait3A_122, %dma_wait3A_123] : memref<32x16x128xf32, #tpu.memory_space<hbm>> -> memref<1x16x128xf32, #tpu.memory_space<hbm>>
      %dma_wait3A_125 = tpu.memref_squeeze %dma_wait3A_124 : memref<1x16x128xf32, #tpu.memory_space<hbm>> -> memref<16x128xf32, #tpu.memory_space<hbm>>
      tpu.wait_dma2 semaphore(%run_scoped3A : memref<!tpu.dma_semaphore, #tpu.memory_space<semaphore_mem>>) src(%arg8 : memref<16x128xf32, #tpu.memory_space<vmem>>) dst(%dma_wait3A_125 : memref<16x128xf32, #tpu.memory_space<hbm>>)
      tpu.yield
    }) : () -> ()
    return
  }
}

module attributes {stable_mosaic.version = 14 : i64} {
  func.func @_combine_kernel(%arg0: memref<32x16x128xf32, #tpu.memory_space<vmem>>, %arg1: memref<16x1xf32, #tpu.memory_space<vmem>>, %arg2: memref<16x162xf32, #tpu.memory_space<vmem>>) attributes {dimension_semantics = [], scalar_prefetch = 0 : i64, scratch_operands = 0 : i64, tpu.core_type = #tpu.core_type<tc>} {
    %get3A = arith.constant 0 : index
    %get3A_0 = arith.constant 0 : index
    %get3A_1 = arith.constant 0 : index
    %get3A_2 = vector.load %arg0[%get3A, %get3A_0, %get3A_1] : memref<32x16x128xf32, #tpu.memory_space<vmem>>, vector<32x16x128xf32>
    %reduce_sum3A = arith.constant dense<0.000000e+00> : vector<16x128xf32>
    %reduce_sum3A_3 = vector.multi_reduction <add>, %get3A_2, %reduce_sum3A [0] : vector<32x16x128xf32> to vector<16x128xf32>
    %get3A_4 = arith.constant 0 : index
    %get3A_5 = arith.constant 0 : index
    %get3A_6 = vector.load %arg1[%get3A_4, %get3A_5] : memref<16x1xf32, #tpu.memory_space<vmem>>, vector<16x1xf32>
    %div3A = vector.broadcast %get3A_6 : vector<16x1xf32> to vector<16x128xf32>
    %div3A_7 = arith.divf %reduce_sum3A_3, %div3A : vector<16x128xf32>
    %broadcast_in_dim3A = arith.constant 0.000000e+00 : f32
    %broadcast_in_dim3A_8 = vector.broadcast %broadcast_in_dim3A : f32 to vector<16x34xf32>
    %concatenate3A = tpu.concatenate %div3A_7, %broadcast_in_dim3A_8 in 1 : vector<16x128xf32>, vector<16x34xf32> -> vector<16x162xf32>
    %swap3A = arith.constant 0 : index
    %swap3A_9 = arith.constant 0 : index
    %swap3A_10 = vector.load %arg2[%swap3A, %swap3A_9] : memref<16x162xf32, #tpu.memory_space<vmem>>, vector<16x162xf32>
    tpu.vector_store %arg2[%swap3A, %swap3A_9], %concatenate3A {strides = array<i32>} : memref<16x162xf32, #tpu.memory_space<vmem>>, vector<16x162xf32>,
    return
  }
}

</mosaic_0001>

<sc_bundles>
// kernel: kernel.4.cloned.1.call-start
scs
__scs_entry_jumppad:
0x0: {  	(pc) =	sbr.rel $0x88, $3  }
0x1: {  	(tag) =	ssettag $0x0;
	lr =	simm.s32 $0x1  }
0x2: {  	[smem:$0x3F9F] =	sst lr;
	_ =	strace $0xD0000000  }
0x3: {  	_ = 	snop  }
0x4: {  	_ = 	snop  }
0x5: {  	_ = 	snop  }
0x6: {  	_ = 	snop  }
0x7: {  	_ = 	snop  }
__scs_overlays_trampoline_lowered:
0x8: {  	[smem:$0x3FAE] =	sst s0  }
0x9: {  	[smem:$0x3FAF] =	sst s1  }
0xa: {  	[smem:$0x3FB0] =	sst s2  }
0xb: {  	[smem:$0x3FB1] =	sst s3  }
0xc: {  	[smem:$0x3FB2] =	sst s4  }
0xd: {  	[smem:$0x3FB3] =	sst s5  }
0xe: {  	[smem:$0x3FB4] =	sst s6  }
0xf: {  	[smem:$0x3FB5] =	sst s7  }
0x10: {  	[smem:$0x3FB6] =	sst s8  }
0x11: {  	[smem:$0x3FB7] =	sst s9;
	s0 =	simm.s32 @!p0 $0x0  }
0x12: {  	s1 =	sld [smem:$0x3F9D];
	s0 =	simm.s32 @p0 $0x1  }
0x13: {  	[smem:$0x3FB8] =	sst s0;
	s0 =	simm.s32 @!p1 $0x0  }
0x14: {  	s2 =	sld [smem:$0x3F9C];
	s0 =	simm.s32 @p1 $0x1  }
0x15: {  	[smem:$0x3FB9] =	sst s0;
	s0 =	simm.s32 @!p2 $0x0  }
0x16: {  	s3 =	sld [smem:$0x3FDB];
	s0 =	simm.s32 @p2 $0x1  }
0x17: {  	s4 =	simm.s32 $0x1BF5;
	[smem:$0x3FBB] =	sst s0  }
0x18: {  	s0 =	sld [smem:$0x3F9E];
	_ =	swait.ge [sflag:s4], $0x0  }
0x19: {  	s7 =	sld [smem:$0x3F9F]  }
0x1a: {  	s8 =	sadd.s32 $0xFFFFE003, lr  }
0x1b: {  	s9 =	sadd.s32 $0xFFFFFEF7, lr;
	s5 =	simm.s32 $0xFFFFFFFF;
	p2 =	slt.u32 s8, $0xFFFFF086  }
0x1c: {  	p1 =	slt.u32 s9, $0xF7A;
	s5 =	simm.s32 @!p2 $0x0  }
0x1d: {  	s5 =	simm.s32 @p1 $0x1;
	p0 =	seq.s32 s7, s2  }
0x1e: {  	s7 =	smul.u32 @!p0 $0xF7A, s2;
	p2 =	seq.s32 @!p0 s5, $0x0  }
0x1f: {  	s9 =	smul.u32 $0xF7A, s1;
	s8 =	simm.s32 @!p0 $0x1BF5;
	p2 =	por !p2, p0  }
0x20: {  	[sflag:s8] =	ssyncset.s32 @!p0 $0xFFFFF086;
	s6 =	sadd.s32 @!p0 s3, s7;
	s7 =	simm.s32 @!p0 $0x108  }
0x21: {  	s3 =	sadd.s32 s3, s9;
	s6 =	sadd.s32 @!p0 $0x88, s6;
	s7 =	simm.s32 @p2 $0x1082  }
0x22: {  	[simem:s7], [sflag:s8] =	dma.local @!p0 [hbm:s6], $0xF7A  }
0x23: {  	s9 =	sor.u32 $0xD0000000, s2;
	s6 =	simm.s32 $0x108;
	_ =	swait.ge @!p0 [sflag:s8], $0x0  }
0x24: {  	s3 =	sadd.s32 $0x88, s3;
	s6 =	simm.s32 @!p1 $0x1082;
	[sflag:s4] =	ssyncset.s32 $0xFFFFF086  }
0x25: {  	[simem:s6], [sflag:s4] =	dma.local [hbm:s3], $0xF7A  }
0x26: {  	[smem:$0x3F9F] =	sst s1;
	(tag) =	ssettag s2;
	_ =	strace s9  }
0x27: {  	s1 =	sld [smem:$0x3FAF]  }
0x28: {  	s2 =	sld [smem:$0x3FB0]  }
0x29: {  	s4 =	sld [smem:$0x3FB2]  }
0x2a: {  	p0 =	seq.s32 s5, $0x0;
	s5 =	sld [smem:$0x3FB3]  }
0x2b: {  	s6 =	sld [smem:$0x3FB4]  }
0x2c: {  	s7 =	sld [smem:$0x3FB5]  }
0x2d: {  	s3 =	simm.s32 $0x108;
	s8 =	sld [smem:$0x3FB6]  }
0x2e: {  	s3 =	simm.s32 @!p0 $0x1082;
	s9 =	sld [smem:$0x3FB7]  }
0x2f: {  	lr =	sadd.s32 s0, s3;
	s0 =	sld [smem:$0x3FAE]  }
0x30: {  	s3 =	sld [smem:$0x3FB1]  }
0x31: {  	[smem:$0x3FBA] =	sst s10  }
0x32: {  	s10 =	sld [smem:$0x3FB8];
	_ =	sdelay $0x3  }
0x33: {  	p0 =	seq.s32 s10, $0x1;
	s10 =	sld [smem:$0x3FBA];
	_ =	sdelay $0x3  }
0x34: {  	[smem:$0x3FBA] =	sst s10  }
0x35: {  	s10 =	sld [smem:$0x3FB9];
	_ =	sdelay $0x3  }
0x36: {  	p1 =	seq.s32 s10, $0x1;
	s10 =	sld [smem:$0x3FBA];
	_ =	sdelay $0x3  }
0x37: {  	[smem:$0x3FBA] =	sst s10  }
0x38: {  	s10 =	sld [smem:$0x3FBB]  }
0x39: {  	_ = 	snop;
	(pc) =	sbr.ind lr, $3  }
0x3a: {  	_ = 	snop  }
0x3b: {  	_ = 	snop  }
0x3c: {  	p2 =	seq.s32 s10, $0x1;
	s10 =	sld [smem:$0x3FBA]  }
0x3d: {  	_ =	shalt  }
0x3e: {  	_ =	shalt  }
0x3f: {  	_ =	shalt  }
0x40: {  	_ =	shalt  }
0x41: {  	_ =	shalt  }
0x42: {  	_ =	shalt  }
0x43: {  	_ =	shalt  }
0x44: {  	_ =	shalt  }
0x45: {  	_ =	shalt  }
0x46: {  	_ =	shalt  }
0x47: {  	_ =	shalt  }
0x48: {  	_ =	shalt  }
0x49: {  	_ =	shalt  }
0x4a: {  	_ =	shalt  }
0x4b: {  	_ =	shalt  }
0x4c: {  	_ =	shalt  }
0x4d: {  	_ =	shalt  }
0x4e: {  	_ =	shalt  }
0x4f: {  	_ =	shalt  }
0x50: {  	_ =	shalt  }
0x51: {  	_ =	shalt  }
0x52: {  	_ =	shalt  }
0x53: {  	_ =	shalt  }
0x54: {  	_ =	shalt  }
0x55: {  	_ =	shalt  }
0x56: {  	_ =	shalt  }
0x57: {  	_ =	shalt  }
0x58: {  	_ =	shalt  }
0x59: {  	_ =	shalt  }
0x5a: {  	_ =	shalt  }
0x5b: {  	_ =	shalt  }
0x5c: {  	_ =	shalt  }
0x5d: {  	_ =	shalt  }
0x5e: {  	_ =	shalt  }
0x5f: {  	_ =	shalt  }
0x60: {  	_ =	shalt  }
0x61: {  	_ =	shalt  }
0x62: {  	_ =	shalt  }
0x63: {  	_ =	shalt  }
0x64: {  	_ =	shalt  }
0x65: {  	_ =	shalt  }
0x66: {  	_ =	shalt  }
0x67: {  	_ =	shalt  }
0x68: {  	_ =	shalt  }
0x69: {  	_ =	shalt  }
0x6a: {  	_ =	shalt  }
0x6b: {  	_ =	shalt  }
0x6c: {  	_ =	shalt  }
0x6d: {  	_ =	shalt  }
0x6e: {  	_ =	shalt  }
0x6f: {  	_ =	shalt  }
0x70: {  	_ =	shalt  }
0x71: {  	_ =	shalt  }
0x72: {  	_ =	shalt  }
0x73: {  	_ =	shalt  }
0x74: {  	_ =	shalt  }
0x75: {  	_ =	shalt  }
0x76: {  	_ =	shalt  }
0x77: {  	_ =	shalt  }
0x78: {  	_ =	shalt  }
0x79: {  	_ =	shalt  }
0x7a: {  	_ =	shalt  }
0x7b: {  	_ =	shalt  }
0x7c: {  	_ =	shalt  }
0x7d: {  	_ =	shalt  }
0x7e: {  	_ =	shalt  }
0x7f: {  	_ =	shalt  }
0x80: {  	_ =	shalt  }
0x81: {  	_ =	shalt  }
0x82: {  	_ =	shalt  }
0x83: {  	_ =	shalt  }
0x84: {  	_ =	shalt  }
0x85: {  	_ =	shalt  }
0x86: {  	_ =	shalt  }
0x87: {  	_ =	shalt  }
.Lfunc_end0:
.L_simem_size_0:
called_computation_lowered:
.L_overlay_start_0:
0x88: {  	s2 =	sld [smem:$0x3FD9]  }
0x89: {  	s3 =	sld [smem:$0x3FFE];
	_ =	sdelay $0x1  }
0x8a: {  	s1 =	srdreg.scid  }
0x8b: {  	s0 =	sand.u32 $0x1, s1  }
0x8c: {  	s17 =	sshll.u32 s0, $0xA;
	s2 =	sadd.s32 s3, s2  }
0x8d: {  	s2 =	sadd.s32 s2, s17  }
0x8e: {  	[smem:$0x3FC6] =	sst s2  }
0x8f: {  	_ = 	snop  }
0x90: {  	s2 =	sld [smem:$0x3FC9]  }
0x91: {  	s18 =	sld [smem:$0x3FC8];
	(tm) =	ssettm $0x1  }
0x92: {  	s4 =	sld [smem:$0x3FFB];
	_ =	sdelay $0x3  }
0x93: {  	_ =	strace s4  }
0x94: {  	s4 =	sld [smem:$0x3FFC];
	_ =	sdelay $0x3  }
0x95: {  	_ =	strace s4  }
0x96: {  	s4 =	sld [smem:$0x3FFD];
	_ =	sdelay $0x3  }
0x97: {  	_ =	strace s4  }
0x98: {  	_ =	strace $0x8FFFFFFF  }
0x99: {  	s19 =	sld [smem:$0x3FDB];
	_ =	sdelay $0x1  }
0x9a: {  	s5 =	simm.s32 $_scs_section_size  }
0x9b: {  	s6 =	simm.s32 $_size__tile_overlayer_lowered;
	s7 =	simm.s32 $_tile_overlayer_lowered  }
0x9c: {  	s22 =	simm.s32 $0x1BFF;
	s21 =	sshll.u32 s7, $0x1;
	s4 =	sadd.s32 s5, s19  }
0x9d: {  	s8 =	simm.s32 $0x0;
	s20 =	sshll.u32 s6, $0x1;
	s6 =	sadd.s32 s21, s4  }
0x9e: {  	[timem:s8], [sflag:s22] =	dma.local [hbm:s6], s20  }
0x9f: {  	_ =	swait.ge [sflag:s22], s20  }
0xa0: {  	s5 =	ssub.s32 $0x0, s20;
	[sflag:s22] =	ssyncset.done $0x0  }
0xa1: {  	[sflag:s22] =	ssyncadd.s32 s5;
	_ =	sdelay $0x1  }
0xa2: {  	s23 =	simm.s32 $0x1B8B  }
0xa3: {  	_ =	swait.ge [sflag:s23], $0x1  }
0xa4: {  	[sflag:s23] =	ssyncset.done $0x0  }
0xa5: {  	s25 =	simm.s32 $0x1B8E;
	s24 =	sld [smem:$0x3FFE];
	[sflag:s23] =	ssyncadd.s32 $0xFFFFFFFF  }
0xa6: {  	s26 =	simm.s32 $execute0_lowered;
	[smem:$0x3FD2] =	sst s25  }
0xa7: {  	s6 =	sshll.u32 s26, $0x1;
	_ =	strace $0x80000046;
	[dreg:$0x1] =	wrdreg $0xFFFFFFFF  }
0xa8: {  	s28 =	simm.s32 $_size_execute0_lowered;
	s4 =	sadd.s32 s4, s6;
	[dreg:$0x0] =	wrdreg $0x0  }
0xa9: {  	s6 =	sshll.u32 s28, $0x1;
	[dreg:$0x2] =	wrdreg s4  }
0xaa: {  	[dreg:$0x3] =	wrdreg s6  }
0xab: {  	[dreg:$0x4] =	wrdreg $0xC0  }
0xac: {  	_ =	task [dreg:s8], $0x5FFFF  }
0xad: {  	[dreg:$0x1] =	wrdreg $0xFFFFFFFF  }
0xae: {  	[dreg:$0x0] =	wrdreg $0x60  }
0xaf: {  	[dreg:$0x2] =	wrdreg s2  }
0xb0: {  	[dreg:$0x3] =	wrdreg s18  }
0xb1: {  	[dreg:$0x4] =	wrdreg s24  }
0xb2: {  	[dreg:$0x5] =	wrdreg $0x9  }
0xb3: {  	_ =	task.clear_ibuf [dreg:s8], $0x6FFFF;
	_ =	strace $0x90000046  }
0xb4: {  	s29 =	simm.s32 $0x9;
	_ =	strace $0x80000048  }
0xb5: {  	_ =	swait.ge [sflag:s29], $0x1  }
0xb6: {  	[sflag:s29] =	ssyncadd.s32 $0xFFFFFFFF  }
0xb7: {  	_ =	strace $0x90000048  }
0xb8: {  	_ =	sfence  }
0xb9: {  	s30 =	sld [smem:$0x0];
	_ =	sdelay $0x2  }
0xba: {  	s31 =	sshll.u32 s1, $0xD;
	s1 =	sshrl.u32 s1, $0x2  }
0xbb: {  	s3 =	sand.u32 $0x4000, s31;
	s1 =	sadd.s32 s1, s30  }
0xbc: {  	s0 =	sor.u32 s3, s0;
	s1 =	sshll.u32 s1, $0x11  }
0xbd: {  	s0 =	sor.u32 s1, s0  }
0xbe: {  	s0 =	sadd.s32 $0x8F2B, s0  }
0xbf: {  	[sflag:s0] =	ssyncadd.remote.s32 $0x1  }
0xc0: {  	_ =	sfence.sel $0xFFFF  }
0xc1: {  	[dreg:$0x0] =	wrdreg $0xFFFFFFFF;
	(pc) =	sbr.abs _section_cstart, $3  }
0xc2: {  	[dreg:$0x1] =	wrdreg $0xFFFFFFFF  }
0xc3: {  	_ =	task.clear_ibuf [dreg:s8], $0x2FFFF;
	_ =	strace $0x9FFFFFFF  }
0xc4: {  	(tm) =	ssettm $0x7FFFFFFF  }
0xc5: {  	_ =	shalt  }
tec
execute0_lowered:
.L_overlay_start_1:
0x0: {  	(tag) =	ssettag $0x1  }
0x1: {  	s9 =	rddreg [dreg:$0x0]  }
0x2: {  	s2 =	rddreg [dreg:$0x1]  }
0x3: {  	s4 =	rddreg [dreg:$0x2]  }
0x4: {  	s0 =	rddreg [dreg:$0x3]  }
0x5: {  	s5 =	srdreg.scid;
	s1 =	stileid.u32  }
0x6: {  	s3 =	simm.s32 $0x0;
	s15 =	simm.s32 $0x3;
	s16 =	simm.s32 $0x8000  }
0x7: {  	s17 =	simm.s32 $0x1;
	s18 =	simm.s32 $0x2;
	s19 =	simm.s32 $0x10080  }
0x8: {  	s20 =	simm.s32 $0x0;
	s12 =	sand.u32 $0x1, s5;
	s29 =	sshll.u32 s1, $0x1  }
0x9: {  	[smem:$0x7FF] =	sst s3;
	s14 =	sshll.u32 s1, $0x14;
	s31 =	sshll.u32 s1, $0xB  }
0xa: {  	s5 =	sor.u32 s12, s29;
	_ =	strace $0x80000047;
	s7 =	ssub.s32 $0x2, s12  }
0xb: {  	s13 =	sshll.u32 s12, $0x13;
	s12 =	sshll.u32 s12, $0xA;
	s6 =	sshll.u32 s5, $0x8  }
0xc: {  	s30 =	sshrl.u32 s7, $0x1;
	s13 =	sor.u32 s14, s13;
	s12 =	sor.u32 s12, s31  }
.Ltmp0:
0xd: {  	s14 =	simm.s32 $0x10000;
	s10 =	sadd.s32 s6, s4;
	(pc) =	sbr.rel .LBB2_1-.Ltmp0, $4  }
0xe: {  	s4 =	sshll.u32 s5, $0xE;
	s11 =	ssub.s32 s7, s30;
	s5 =	sshll.u32 s5, $0xA  }
0xf: {  	s7 =	sadd.s32 $0x1000, s9;
	s13 =	sxor.u32 $0xFFFE0100, s13;
	s6 =	sadd.s32 s9, s4  }
0x10: {  	s9 =	sadd.s32 $0x3000, s9;
	s10 =	sadd.s32 $0x800, s10;
	s13 =	sshra.s32 s13, $0x2  }
0x11: {  	v0 =	vimm.f32 $0.0e+00;
	s11 =	smax.u32 s11, $0x1;
	s8 =	sadd.s32 $0x2000, s6;
	s13 =	sadd.s32 $0x8000, s13  }
.LBB2_17:
0x12: {  	s20 =	sadd.s32 $0x1, s20  }
0x13: {  	p0 =	sne.s32 s20, s11  }
.Ltmp1:
0x14: {  	_ = 	snop;
	(pc) =	sbr.rel @!p0 .LBB2_18-.Ltmp1, $4  }
0x15: {  	[hbm4b:s10+s3] =	stream.linear.scatter [tilespmem:s19], [sflag:$0x3], $0x800, $0x38;
	[tilespmem:$0x10880] =	vst v63  }
0x16: {  	_ =	swait.ge [sflag:s15], $0x800  }
0x17: {  	[sflag:s15] =	ssyncset.done $0x0  }
0x18: {  	[sflag:s15] =	ssyncadd.s32 $0xFFFFF800  }
.LBB2_1:
0x19: {  	[tilespmem:s14], [sflag:$0x3] =	stream.linear.gather [hbm4b:s2+s3], $0x10, $0x38;
	[tilespmem:$0x10880] =	vst v63  }
0x1a: {  	_ =	swait.ge [sflag:s15], $0x10  }
0x1b: {  	[sflag:s15] =	ssyncset.done $0x0  }
0x1c: {  	[sflag:s15] =	ssyncadd.s32 $0xFFFFFFF0  }
0x1d: {  	v1 =	vld [tilespmem:$0x10000];
	_ =	sdelay $0x4  }
0x1e: {  	(v2sf) =	vpush v1, $0x0  }
0x1f: {  	(v2sf) =	vpush v1, $0x1  }
0x20: {  	(v2sf) =	vpush v1, $0x2  }
0x21: {  	(v2sf) =	vpush v1, $0x3  }
0x22: {  	(v2sf) =	vpush v1, $0x4  }
0x23: {  	(v2sf) =	vpush v1, $0x5  }
0x24: {  	(v2sf) =	vpush v1, $0x6  }
0x25: {  	(v2sf) =	vpush v1, $0x7  }
0x26: {  	(v2sf) =	vpush v1, $0x8  }
0x27: {  	(v2sf) =	vpush v1, $0x9  }
0x28: {  	(v2sf) =	vpush v1, $0xA  }
0x29: {  	(v2sf) =	vpush v1, $0xB  }
0x2a: {  	(v2sf) =	vpush v1, $0xC  }
0x2b: {  	(v2sf) =	vpush v1, $0xD  }
0x2c: {  	(v2sf) =	vpush v1, $0xE  }
0x2d: {  	s21 =	spop (v2sf);
	(v2sf) =	vpush v1, $0xF  }
0x2e: {  	s22 =	spop (v2sf);
	[smem:$0x0] =	sst s21  }
0x2f: {  	s25 =	spop (v2sf);
	[smem:$0x1] =	sst s22  }
0x30: {  	s26 =	spop (v2sf);
	[smem:$0x2] =	sst s25  }
0x31: {  	s28 =	spop (v2sf);
	[smem:$0x3] =	sst s26  }
0x32: {  	s29 =	spop (v2sf);
	[smem:$0x4] =	sst s28  }
0x33: {  	s30 =	spop (v2sf);
	[smem:$0x5] =	sst s29  }
0x34: {  	s31 =	spop (v2sf);
	[smem:$0x6] =	sst s30  }
0x35: {  	s23 =	spop (v2sf);
	[smem:$0x7] =	sst s31  }
0x36: {  	s24 =	spop (v2sf);
	[smem:$0x8] =	sst s23  }
0x37: {  	s25 =	spop (v2sf);
	[smem:$0x9] =	sst s24  }
0x38: {  	s26 =	spop (v2sf);
	[smem:$0xA] =	sst s25  }
0x39: {  	s28 =	spop (v2sf);
	[smem:$0xB] =	sst s26  }
0x3a: {  	s29 =	spop (v2sf);
	[smem:$0xC] =	sst s28  }
0x3b: {  	s30 =	spop (v2sf);
	[smem:$0xD] =	sst s29  }
0x3c: {  	[smem:$0xE] =	sst s30;
	s31 =	spop (v2sf)  }
0x3d: {  	[smem:$0xF] =	sst s31  }
0x3e: {  	s21 =	simm.s32 $0x0;
	s22 =	simm.s32 $0x200;
	[smem:$0x10] =	sst s16  }
.LBB2_2:
0x3f: {  	p0 =	sne.s32 s22, $0x1E00;
	[tilespmem:s21+$0x100F0] =	vst v0  }
0x40: {  	[tilespmem:s21+$0x10080] =	vst v0  }
0x41: {  	[tilespmem:s21+$0x10090] =	vst v0  }
.Ltmp2:
0x42: {  	[tilespmem:s21+$0x100A0] =	vst v0;
	(pc) =	sbr.rel @p0 .LBB2_2-.Ltmp2, $4  }
0x43: {  	[tilespmem:s21+$0x100B0] =	vst v0  }
0x44: {  	[tilespmem:s21+$0x100C0] =	vst v0  }
0x45: {  	[tilespmem:s21+$0x100D0] =	vst v0  }
0x46: {  	[tilespmem:s21+$0x100E0] =	vst v0;
	s21 =	sshra.s32 s22, $0x2;
	s22 =	sadd.s32 $0x200, s22  }
0x47: {  	[tilespmem:s21+$0x100F0] =	vst v0  }
0x48: {  	[tilespmem:s21+$0x10080] =	vst v0  }
0x49: {  	[tilespmem:s21+$0x10090] =	vst v0  }
0x4a: {  	[tilespmem:s21+$0x100A0] =	vst v0  }
0x4b: {  	[tilespmem:s21+$0x100B0] =	vst v0  }
.Ltmp3:
0x4c: {  	[tilespmem:s21+$0x100C0] =	vst v0;
	(pc) =	sbr.rel .LBB2_4-.Ltmp3, $4  }
0x4d: {  	[tilespmem:s21+$0x100D0] =	vst v0  }
0x4e: {  	[tilespmem:s21+$0x100E0] =	vst v0;
	s21 =	simm.s32 $0x0  }
0x4f: {  	p1 =	por $0x1, $0x1;
	s22 =	smov.u32 s7;
	s23 =	simm.s32 $0x0  }
0x50: {  	[tilespmem:s21], [sflag:$0x1] =	stream.linear.gather [hbm4b:s6+s21], $0x8000, $0x38;
	[tilespmem:$0x10880] =	vst v63  }
.LBB2_16:
.Ltmp4:
0x51: {  	(pc) =	sbr.rel @!p0 .LBB2_17-.Ltmp4, $2  }
0x52: {  	_ =	sdelay $0x2  }
0x53: {  	s23 =	simm.s32 $0x200;
	p1 =	por $0x0, $0x0;
	s22 =	smov.u32 s9  }
.LBB2_4:
0x54: {  	s22 =	sadd.s32 s4, s22  }
0x55: {  	[tilespmem:s16], [sflag:$0x2] =	stream.linear.gather [hbm4b:s22+s21], $0x8000, $0x38;
	[tilespmem:$0x10880] =	vst v63  }
.Ltmp5:
0x56: {  	s31 =	sadd.s32 s23, s12;
	(pc) =	sbr.rel .LBB2_5-.Ltmp5, $4  }
0x57: {  	s24 =	sor.u32 s5, s23;
	s22 =	sshll.u32 s31, $0x9  }
0x58: {  	p0 =	por p1, p1;
	_ =	swait.ge [sflag:s17], $0x8000;
	s22 =	ssub.s32 $0x0, s22  }
0x59: {  	s26 =	simm.s32 $0x0;
	[sflag:s17] =	ssyncset.done $0x0;
	s25 =	sshra.s32 s22, $0x2  }
0x5a: {  	s22 =	sor.u32 $0x100, s24;
	[sflag:s17] =	ssyncadd.s32 $0xFFFF8000;
	s25 =	sor.u32 $0x40, s25  }
.LBB2_8:
0x5b: {  	s28 =	sshll.u32 s26, $0x7  }
0x5c: {  	s28 =	sand.u32 $0x3FFFFF80, s28  }
0x5d: {  	v14 =	vld [tilespmem:s28+$0x10080]  }
0x5e: {  	v15 =	vld [tilespmem:s28+$0x10090]  }
0x5f: {  	v16 =	vld [tilespmem:s28+$0x100A0]  }
0x60: {  	v12 =	vadd.f32 v13, v12;
	v59 =	vld [tilespmem:s28+$0x100B0]  }
0x61: {  	v17 =	vld [tilespmem:s28+$0x100C0]  }
0x62: {  	v61 =	vld [tilespmem:s28+$0x100E0];
	v12 =	vadd.f32 v14, v12  }
0x63: {  	v2 =	vadd.f32 v11, v2;
	v62 =	vld [tilespmem:s28+$0x100F0];
	v7 =	vadd.f32 v15, v7  }
0x64: {  	v8 =	vadd.f32 v9, v8;
	v60 =	vld [tilespmem:s28+$0x100D0];
	v4 =	vadd.f32 v16, v4;
	[tilespmem:s28+$0x10080] =	vst v12  }
0x65: {  	v3 =	vadd.f32 v10, v3;
	v2 =	vadd.f32 v59, v2;
	[tilespmem:s28+$0x10090] =	vst v7  }
0x66: {  	v63 =	vadd.f32 v17, v8;
	[tilespmem:s28+$0x100A0] =	vst v4  }
0x67: {  	v5 =	vadd.f32 v5, v6;
	v3 =	vadd.f32 v61, v3;
	[tilespmem:s28+$0x100B0] =	vst v2  }
0x68: {  	v1 =	vadd.f32 v62, v1;
	[tilespmem:s28+$0x100C0] =	vst v63  }
0x69: {  	v2 =	vadd.f32 v60, v5;
	[tilespmem:s28+$0x100E0] =	vst v3  }
0x6a: {  	[tilespmem:s28+$0x100F0] =	vst v1  }
0x6b: {  	[tilespmem:s28+$0x100D0] =	vst v2  }
.LBB2_9:
0x6c: {  	s26 =	sadd.s32 $0x1, s26  }
0x6d: {  	p1 =	sne.s32 s26, $0x10  }
.Ltmp6:
0x6e: {  	_ = 	snop;
	(pc) =	sbr.rel @!p1 .LBB2_10-.Ltmp6, $1  }
0x6f: {  	_ =	sdelay $0x3  }
.LBB2_5:
0x70: {  	s30 =	sld [smem:s26+$0x0]  }
0x71: {  	s31 =	sld [smem:s26+$0x1];
	_ =	sdelay $0x1  }
0x72: {  	s29 =	smov.u32 s24  }
0x73: {  	s28 =	smov.u32 s22;
	p1 =	sgt.s32 s30, s24;
	p2 =	slt.s32 s31, s22  }
0x74: {  	s29 =	smov.u32 @p1 s30;
	s28 =	smov.u32 @p2 s31  }
0x75: {  	p1 =	sge.s32 s29, s28  }
.Ltmp7:
0x76: {  	_ = 	snop;
	(pc) =	sbr.rel @p1 .LBB2_9-.Ltmp7, $1  }
0x77: {  	_ =	sdelay $0x3  }
0x78: {  	s30 =	sshll.u32 s29, $0x9  }
0x79: {  	s30 =	sshra.s32 s30, $0x2  }
0x7a: {  	s30 =	sadd.s32 s30, s25  }
0x7b: {  	v1 =	vld [tilespmem:s30+$0x30]  }
0x7c: {  	s29 =	sadd.s32 $0x1, s29;
	v3 =	vld [tilespmem:s30+$0xFFFFFFD0]  }
0x7d: {  	p1 =	slt.s32 s29, s28;
	v4 =	vld [tilespmem:s30+$0xFFFFFFE0]  }
.Ltmp8:
0x7e: {  	v11 =	vld [tilespmem:s30+$0xFFFFFFF0];
	(pc) =	sbr.rel @!p1 .LBB2_8-.Ltmp8, $4  }
0x7f: {  	v9 =	vld [tilespmem:s30+$0x0]  }
0x80: {  	v2 =	vimm.f32 $0.0e+00;
	v8 =	vimm.f32 $0.0e+00;
	v5 =	vld [tilespmem:s30+$0x10]  }
0x81: {  	v6 =	vimm.f32 $0.0e+00;
	v12 =	vimm.f32 $0.0e+00;
	v10 =	vld [tilespmem:s30+$0x20];
	v1 =	vadd.f32 v1, v2  }
0x82: {  	v13 =	vld [tilespmem:s30+$0xFFFFFFC0];
	s30 =	sadd.s32 $0x80, s30;
	v7 =	vadd.f32 v3, v2;
	v4 =	vadd.f32 v4, v2;
	v3 =	vimm.f32 $0.0e+00  }
.LBB2_7:
0x83: {  	v14 =	vld [tilespmem:s30+$0x30];
	s29 =	sadd.s32 $0x1, s29;
	v2 =	vadd.f32 v11, v2  }
0x84: {  	v8 =	vadd.f32 v9, v8;
	v15 =	vld [tilespmem:s30+$0xFFFFFFD0];
	p1 =	slt.s32 s29, s28  }
0x85: {  	v6 =	vadd.f32 v5, v6;
	v16 =	vld [tilespmem:s30+$0xFFFFFFE0]  }
.Ltmp9:
0x86: {  	v3 =	vadd.f32 v10, v3;
	v11 =	vld [tilespmem:s30+$0xFFFFFFF0];
	(pc) =	sbr.rel @p1 .LBB2_7-.Ltmp9, $4  }
0x87: {  	v12 =	vadd.f32 v13, v12;
	v9 =	vld [tilespmem:s30+$0x0]  }
0x88: {  	v5 =	vld [tilespmem:s30+$0x10];
	v1 =	vadd.f32 v14, v1  }
0x89: {  	v7 =	vadd.f32 v15, v7;
	v10 =	vld [tilespmem:s30+$0x20]  }
0x8a: {  	v13 =	vld [tilespmem:s30+$0xFFFFFFC0];
	v4 =	vadd.f32 v16, v4;
	s30 =	sadd.s32 $0x80, s30  }
.Ltmp10:
0x8b: {  	_ = 	snop;
	(pc) =	sbr.rel .LBB2_8-.Ltmp10, $1  }
0x8c: {  	_ =	sdelay $0x3  }
.LBB2_10:
.Ltmp11:
0x8d: {  	s25 =	simm.s32 @p0 $0x0;
	s23 =	sshll.u32 s23, $0x9;
	(pc) =	sbr.rel .LBB2_11-.Ltmp11, $4  }
0x8e: {  	[tilespmem:s25], [sflag:$0x1] =	stream.linear.gather @p0 [hbm4b:s8+s25], $0x8000, $0x38;
	[tilespmem:$0x10880] =	vst v63  }
0x8f: {  	s23 =	ssub.s32 $0x0, s23;
	_ =	swait.ge [sflag:s18], $0x8000  }
0x90: {  	s25 =	simm.s32 $0x0;
	s31 =	sshra.s32 s23, $0x2;
	[sflag:s18] =	ssyncset.done $0x0  }
0x91: {  	s23 =	sadd.s32 $0x200, s24;
	s24 =	sadd.s32 s31, s13;
	[sflag:s18] =	ssyncadd.s32 $0xFFFF8000  }
.LBB2_14:
0x92: {  	s26 =	sshll.u32 s25, $0x7  }
0x93: {  	s26 =	sand.u32 $0x3FFFFF80, s26  }
0x94: {  	v14 =	vld [tilespmem:s26+$0x10080]  }
0x95: {  	v15 =	vld [tilespmem:s26+$0x10090]  }
0x96: {  	v16 =	vld [tilespmem:s26+$0x100A0]  }
0x97: {  	v12 =	vadd.f32 v13, v12;
	v59 =	vld [tilespmem:s26+$0x100B0]  }
0x98: {  	v17 =	vld [tilespmem:s26+$0x100C0]  }
0x99: {  	v61 =	vld [tilespmem:s26+$0x100E0];
	v12 =	vadd.f32 v14, v12  }
0x9a: {  	v2 =	vadd.f32 v11, v2;
	v62 =	vld [tilespmem:s26+$0x100F0];
	v7 =	vadd.f32 v15, v7  }
0x9b: {  	v8 =	vadd.f32 v9, v8;
	v60 =	vld [tilespmem:s26+$0x100D0];
	v4 =	vadd.f32 v16, v4;
	[tilespmem:s26+$0x10080] =	vst v12  }
0x9c: {  	v3 =	vadd.f32 v10, v3;
	v2 =	vadd.f32 v59, v2;
	[tilespmem:s26+$0x10090] =	vst v7  }
0x9d: {  	v63 =	vadd.f32 v17, v8;
	[tilespmem:s26+$0x100A0] =	vst v4  }
0x9e: {  	v5 =	vadd.f32 v5, v6;
	v3 =	vadd.f32 v61, v3;
	[tilespmem:s26+$0x100B0] =	vst v2  }
0x9f: {  	v1 =	vadd.f32 v62, v1;
	[tilespmem:s26+$0x100C0] =	vst v63  }
0xa0: {  	v2 =	vadd.f32 v60, v5;
	[tilespmem:s26+$0x100E0] =	vst v3  }
0xa1: {  	[tilespmem:s26+$0x100F0] =	vst v1  }
0xa2: {  	[tilespmem:s26+$0x100D0] =	vst v2  }
.LBB2_15:
0xa3: {  	s25 =	sadd.s32 $0x1, s25  }
0xa4: {  	p1 =	sne.s32 s25, $0x10  }
.Ltmp12:
0xa5: {  	_ = 	snop;
	(pc) =	sbr.rel @!p1 .LBB2_16-.Ltmp12, $1  }
0xa6: {  	_ =	sdelay $0x3  }
.LBB2_11:
0xa7: {  	s29 =	sld [smem:s25+$0x0]  }
0xa8: {  	s30 =	sld [smem:s25+$0x1];
	_ =	sdelay $0x1  }
0xa9: {  	s28 =	smov.u32 s22  }
0xaa: {  	s26 =	smov.u32 s23;
	p1 =	sgt.s32 s29, s22;
	p2 =	slt.s32 s30, s23  }
0xab: {  	s28 =	smov.u32 @p1 s29;
	s26 =	smov.u32 @p2 s30  }
0xac: {  	p1 =	sge.s32 s28, s26  }
.Ltmp13:
0xad: {  	_ = 	snop;
	(pc) =	sbr.rel @p1 .LBB2_15-.Ltmp13, $1  }
0xae: {  	_ =	sdelay $0x3  }
0xaf: {  	s29 =	sshll.u32 s28, $0x9  }
0xb0: {  	s29 =	sshra.s32 s29, $0x2  }
0xb1: {  	s29 =	sadd.s32 s29, s24  }
0xb2: {  	v1 =	vld [tilespmem:s29+$0x30]  }
0xb3: {  	s28 =	sadd.s32 $0x1, s28;
	v3 =	vld [tilespmem:s29+$0xFFFFFFD0]  }
0xb4: {  	p1 =	slt.s32 s28, s26;
	v4 =	vld [tilespmem:s29+$0xFFFFFFE0]  }
.Ltmp14:
0xb5: {  	v11 =	vld [tilespmem:s29+$0xFFFFFFF0];
	(pc) =	sbr.rel @!p1 .LBB2_14-.Ltmp14, $4  }
0xb6: {  	v9 =	vld [tilespmem:s29+$0x0]  }
0xb7: {  	v2 =	vimm.f32 $0.0e+00;
	v8 =	vimm.f32 $0.0e+00;
	v5 =	vld [tilespmem:s29+$0x10]  }
0xb8: {  	v6 =	vimm.f32 $0.0e+00;
	v12 =	vimm.f32 $0.0e+00;
	v10 =	vld [tilespmem:s29+$0x20];
	v1 =	vadd.f32 v1, v2  }
0xb9: {  	v13 =	vld [tilespmem:s29+$0xFFFFFFC0];
	s29 =	sadd.s32 $0x80, s29;
	v7 =	vadd.f32 v3, v2;
	v4 =	vadd.f32 v4, v2;
	v3 =	vimm.f32 $0.0e+00  }
.LBB2_13:
0xba: {  	v14 =	vld [tilespmem:s29+$0x30];
	s28 =	sadd.s32 $0x1, s28;
	v2 =	vadd.f32 v11, v2  }
0xbb: {  	v8 =	vadd.f32 v9, v8;
	v15 =	vld [tilespmem:s29+$0xFFFFFFD0];
	p1 =	slt.s32 s28, s26  }
0xbc: {  	v6 =	vadd.f32 v5, v6;
	v16 =	vld [tilespmem:s29+$0xFFFFFFE0]  }
.Ltmp15:
0xbd: {  	v3 =	vadd.f32 v10, v3;
	v11 =	vld [tilespmem:s29+$0xFFFFFFF0];
	(pc) =	sbr.rel @p1 .LBB2_13-.Ltmp15, $4  }
0xbe: {  	v12 =	vadd.f32 v13, v12;
	v9 =	vld [tilespmem:s29+$0x0]  }
0xbf: {  	v5 =	vld [tilespmem:s29+$0x10];
	v1 =	vadd.f32 v14, v1  }
0xc0: {  	v7 =	vadd.f32 v15, v7;
	v10 =	vld [tilespmem:s29+$0x20]  }
0xc1: {  	v13 =	vld [tilespmem:s29+$0xFFFFFFC0];
	v4 =	vadd.f32 v16, v4;
	s29 =	sadd.s32 $0x80, s29  }
.Ltmp16:
0xc2: {  	_ = 	snop;
	(pc) =	sbr.rel .LBB2_14-.Ltmp16, $1  }
0xc3: {  	_ =	sdelay $0x3  }
.LBB2_18:
0xc4: {  	_ =	sfence.sel $0x180000  }
0xc5: {  	[bflag:$0x0] =	sbarrier.arrive $0xFFFF  }
0xc6: {  	p0 =	sne.s32 s1, $0x0;
	_ =	strace $0x90000047  }
0xc7: {  	s0 =	sadd.s32 @!p0 $0x100000, s0;
	[bflag:$0x2] =	sbarrier.arrive $0xFFFF  }
0xc8: {  	[sflag:s0] =	ssyncadd.tile.s32 @!p0 $0x1;
	_ =	shalt  }
.Lfunc_end2:
_tile_overlayer_lowered:
.L_overlay_start_2:
0xc9: {  	(tag) =	ssettag $0x2  }
0xca: {  	s0 =	rddreg [dreg:$0x0];
	s2 =	stileid.u32  }
0xcb: {  	s1 =	rddreg [dreg:$0x1];
	p0 =	sne.s32 s2, $0x0  }
0xcc: {  	s3 =	rddreg [dreg:$0x2];
	[bflag:$0x3] =	sbarrier.arrive $0xFFFF;
	s2 =	simm.s32 @!p0 $0x1C03  }
0xcd: {  	[timem:s3], [sflag:s2] =	dma.local @!p0 [hbm:s0], s1  }
0xce: {  	s0 =	simm.s32 @!p0 $0x3  }
0xcf: {  	_ =	swait.ge @!p0 [sflag:s0], s1  }
0xd0: {  	s1 =	ssub.s32 @!p0 $0x0, s1;
	[sflag:s0] =	ssyncset.done @!p0 $0x0  }
0xd1: {  	[sflag:s0] =	ssyncadd.s32 @!p0 s1  }
0xd2: {  	[bflag:$0x3] =	sbarrier.arrive $0xFFFF  }
0xd3: {  	_ =	shalt  }

</sc_bundles>
